<compile_context>
chip_gen: v7x
topology: tpu7x:2x2x1
jax: 0.10.2.dev20260603
libtpu: 0.0.44.dev20260713+nightly
codegen_flags: <defaults>
</compile_context>

<pallas_src>
import functools

import jax
import jax.numpy as jnp
from jax import lax
from jax.experimental import pallas as pl
from jax.experimental.pallas import tpu as pltpu
from jax.experimental.pallas import tpu_sc as plsc

_B = 16384
_D = 16
_NC = 2
_NS = 16
_NW = _NC * _NS
_BW = _B // _NW
_NCHUNK = 4
_CB = _BW // _NCHUNK
_L = 16
_NBUF = 16

_mesh = plsc.VectorSubcoreMesh(core_axis_name="c", subcore_axis_name="s")


@functools.partial(
    pl.kernel,
    out_type=jax.ShapeDtypeStruct(((_D + 1) * _B,), jnp.float32),
    mesh=_mesh,
    scratch_types=[
        pltpu.VMEM((_BW,), jnp.int32),
        pltpu.VMEM((_NBUF, _D, 128), jnp.float32),
        pltpu.VMEM(((_D + 1) * _BW,), jnp.float32),
        pltpu.SemaphoreType.DMA,
        pltpu.SemaphoreType.DMA,
        pltpu.SemaphoreType.DMA,
    ],
    compiler_params=pltpu.CompilerParams(needs_layout_passes=False),
)
def _emb_kernel(idx_hbm, pos_hbm, learn_hbm, out_hbm,
                idx_v, win_v, emb_v, wsem, lsem, osem):
    wid = lax.axis_index("s") * _NC + lax.axis_index("c")
    base = wid * _BW

    pltpu.sync_copy(idx_hbm.at[pl.ds(base, _BW)], idx_v)

    lcopies = []
    for j in range(_NCHUNK):
        lcopies.append(pltpu.async_copy(
            learn_hbm.at[idx_v.at[pl.ds(j * _CB, _CB)]],
            emb_v.at[pl.ds(_D * _BW + j * _CB, _CB)], lsem))

    lanes = lax.iota(jnp.int32, _L)
    outpos = lanes * _BW

    def group_body(k, carry):
        vv = idx_v[pl.ds(k * _L, _L)]
        for u in range(_NBUF):
            cb = (vv[u] >> 7) * 128
            pltpu.async_copy(
                pos_hbm.at[:, pl.ds(cb, 128)], win_v.at[u], wsem)
        for u in range(_NBUF):
            pltpu.make_async_copy(
                pos_hbm.at[:, pl.ds(0, 128)], win_v.at[u], wsem).wait()
        for u in range(_NBUF):
            col = vv[u] & 127
            vals = plsc.load_gather(
                win_v.at[u], [lanes, jnp.full((_L,), col, jnp.int32)])
            plsc.store_scatter(emb_v, [outpos + (k * _L + u)], vals)
        return carry

    lax.fori_loop(0, _BW // _NBUF, group_body, 0)

    for cp in lcopies:
        cp.wait()

    outs = []
    for f in range(_D + 1):
        outs.append(pltpu.async_copy(
            emb_v.at[pl.ds(f * _BW, _BW)],
            out_hbm.at[pl.ds(f * _B + base, _BW)], osem))
    for cp in outs:
        cp.wait()


def kernel(indices, pos_table, learn_table):
    idx = indices.astype(jnp.int32)
    pos_t = pos_table.T
    learn_flat = learn_table.reshape(-1)
    out_flat = _emb_kernel(idx, pos_t, learn_flat)
    return out_flat.reshape(_D + 1, _B).T

# --- scband reference (transcript-rebuilt; emitter-appended) ---
"""Pipeline reference for scband-spherical-embeddings-54202487276092 (READ-ONLY COPY).

The authoritative reference and input builder live on the scoring server;
editing this copy changes nothing except your own understanding.
"""

import jax, jax.numpy as jnp
import numpy as np

VOCAB = 1000000
N_DIMS = 16
BATCH = 16384


def setup_inputs(seed: int = 0) -> dict:
    key = jax.random.key(seed)
    k1, k2, k3 = jax.random.split(key, 3)
    indices = jax.random.randint(k1, (BATCH,), 0, VOCAB, dtype=jnp.int64 if jax.config.jax_enable_x64 else jnp.int32)
    # position table lives on the unit sphere (geoopt.ManifoldParameter on Sphere)
    pos_table = jax.random.normal(k2, (VOCAB, N_DIMS), dtype=jnp.float32)
    pos_table = pos_table / jnp.linalg.norm(pos_table, axis=-1, keepdims=True)
    # learnable per-row scalar parameter (shape [vocab, 1])
    learn_table = jax.random.normal(k3, (VOCAB, 1), dtype=jnp.float32)
    return {"indices": indices, "pos_table": pos_table, "learn_table": learn_table}


def reference(indices, pos_table, learn_table):
    # SphericalEmbeddings.__getitem__(key, index) -> table[index]
    # Lookup on the spherical position table and the learnable scalar table,
    # returned as a single concatenated embedding per index.
    pos_emb = jnp.take(pos_table, indices, axis=0)      # [B, n_dims]
    learn_emb = jnp.take(learn_table, indices, axis=0)  # [B, 1]
    return jnp.concatenate([pos_emb, learn_emb], axis=-1)  # [B, n_dims + 1]

if __name__ == "__main__":
    import jax
    _d = setup_inputs()
    print(jax.jit(kernel)(*tuple(_d.values())))

</pallas_src>

<mosaic_0001>
#map = affine_map<(d0, d1) -> (0)>
#map1 = affine_map<(d0, d1) -> (0, 0)>
module attributes {stable_mosaic.version = 14 : i64} {
  func.func @_emb_kernel(%arg0: i32, %arg1: i32, %arg2: memref<16384xi32, #tpu.memory_space<hbm>>, %arg3: memref<16x1000000xf32, #tpu.memory_space<hbm>>, %arg4: memref<1000000xf32, #tpu.memory_space<hbm>>, %arg5: memref<278528xf32, #tpu.memory_space<hbm>>, %arg6: memref<512xi32, #tpu.memory_space<vmem>>, %arg7: memref<16x16x128xf32, #tpu.memory_space<vmem>>, %arg8: memref<8704xf32, #tpu.memory_space<vmem>>, %arg9: memref<!tpu.dma_semaphore, #tpu.memory_space<semaphore_mem>>, %arg10: memref<!tpu.dma_semaphore, #tpu.memory_space<semaphore_mem>>, %arg11: memref<!tpu.dma_semaphore, #tpu.memory_space<semaphore_mem>>) attributes {dimension_semantics = [#tpu.dimension_semantics<core_parallel>, #tpu.dimension_semantics<subcore_parallel>], iteration_bounds = array<i64: 2, 16>, scalar_prefetch = 0 : i64, scratch_operands = 6 : i64, tpu.core_type = #tpu.core_type<sc_vector_subcore>, window_params = [{transform_indices = #map}, {transform_indices = #map1}, {transform_indices = #map}, {transform_indices = #map}]} {
    %mul3A = arith.constant 2 : i32
    %mul3A_0 = arith.muli %arg1, %mul3A : i32
    %add3A = arith.addi %mul3A_0, %arg0 : i32
    %mul3A_1 = arith.constant 512 : i32
    %mul3A_2 = arith.muli %add3A, %mul3A_1 : i32
    "tpu.region"() ({
      %run_scoped3A = tpu.sem_alloc : memref<!tpu.dma_semaphore, #tpu.memory_space<semaphore_mem>>
      %dma_start3A_295 = tpu.memref_slice %arg2[%mul3A_2] : memref<16384xi32, #tpu.memory_space<hbm>> -> memref<512xi32, #tpu.memory_space<hbm>>
      %dma_start3A_296 = tpu.memref_slice %arg2[%mul3A_2] : memref<16384xi32, #tpu.memory_space<hbm>> -> memref<512xi32, #tpu.memory_space<hbm>>
      tpu.enqueue_dma source(%dma_start3A_296 : memref<512xi32, #tpu.memory_space<hbm>>) target(%arg6 : memref<512xi32, #tpu.memory_space<vmem>>) target_semaphore(%run_scoped3A : memref<!tpu.dma_semaphore, #tpu.memory_space<semaphore_mem>>)
      %dma_wait3A_297 = tpu.memref_slice %arg2[%mul3A_2] : memref<16384xi32, #tpu.memory_space<hbm>> -> memref<512xi32, #tpu.memory_space<hbm>>
      %dma_wait3A_298 = tpu.memref_slice %arg2[%mul3A_2] : memref<16384xi32, #tpu.memory_space<hbm>> -> memref<512xi32, #tpu.memory_space<hbm>>
      tpu.wait_dma2 semaphore(%run_scoped3A : memref<!tpu.dma_semaphore, #tpu.memory_space<semaphore_mem>>) src(%dma_wait3A_298 : memref<512xi32, #tpu.memory_space<hbm>>) dst(%arg6 : memref<512xi32, #tpu.memory_space<vmem>>)
      tpu.yield
    }) : () -> ()
    %dma_start3A = arith.constant 8192 : i32
    %dma_start3A_3 = tpu.memref_slice %arg8[%dma_start3A] : memref<8704xf32, #tpu.memory_space<vmem>> -> memref<128xf32, #tpu.memory_space<vmem>>
    %dma_start3A_4 = arith.constant 0 : i32
    %dma_start3A_5 = tpu.memref_slice %arg6[%dma_start3A_4] : memref<512xi32, #tpu.memory_space<vmem>> -> memref<128xi32, #tpu.memory_space<vmem>>
    %dma_start3A_6 = arith.constant 0 : i32
    %dma_start3A_7 = tpu.memref_slice %arg4[%dma_start3A_6] : memref<1000000xf32, #tpu.memory_space<hbm>> -> memref<1000000xf32, #tpu.memory_space<hbm>>
    tpu.enqueue_indirect_dma source(%dma_start3A_7 : memref<1000000xf32, #tpu.memory_space<hbm>>) target(%dma_start3A_3 : memref<128xf32, #tpu.memory_space<vmem>>) offsets(%dma_start3A_5 : memref<128xi32, #tpu.memory_space<vmem>>) semaphore(%arg10 : memref<!tpu.dma_semaphore, #tpu.memory_space<semaphore_mem>>)
    %dma_start3A_8 = arith.constant 8320 : i32
    %dma_start3A_9 = tpu.memref_slice %arg8[%dma_start3A_8] : memref<8704xf32, #tpu.memory_space<vmem>> -> memref<128xf32, #tpu.memory_space<vmem>>
    %dma_start3A_10 = arith.constant 128 : i32
    %dma_start3A_11 = tpu.memref_slice %arg6[%dma_start3A_10] : memref<512xi32, #tpu.memory_space<vmem>> -> memref<128xi32, #tpu.memory_space<vmem>>
    %dma_start3A_12 = arith.constant 0 : i32
    %dma_start3A_13 = tpu.memref_slice %arg4[%dma_start3A_12] : memref<1000000xf32, #tpu.memory_space<hbm>> -> memref<1000000xf32, #tpu.memory_space<hbm>>
    tpu.enqueue_indirect_dma source(%dma_start3A_13 : memref<1000000xf32, #tpu.memory_space<hbm>>) target(%dma_start3A_9 : memref<128xf32, #tpu.memory_space<vmem>>) offsets(%dma_start3A_11 : memref<128xi32, #tpu.memory_space<vmem>>) semaphore(%arg10 : memref<!tpu.dma_semaphore, #tpu.memory_space<semaphore_mem>>)
    %dma_start3A_14 = arith.constant 8448 : i32
    %dma_start3A_15 = tpu.memref_slice %arg8[%dma_start3A_14] : memref<8704xf32, #tpu.memory_space<vmem>> -> memref<128xf32, #tpu.memory_space<vmem>>
    %dma_start3A_16 = arith.constant 256 : i32
    %dma_start3A_17 = tpu.memref_slice %arg6[%dma_start3A_16] : memref<512xi32, #tpu.memory_space<vmem>> -> memref<128xi32, #tpu.memory_space<vmem>>
    %dma_start3A_18 = arith.constant 0 : i32
    %dma_start3A_19 = tpu.memref_slice %arg4[%dma_start3A_18] : memref<1000000xf32, #tpu.memory_space<hbm>> -> memref<1000000xf32, #tpu.memory_space<hbm>>
    tpu.enqueue_indirect_dma source(%dma_start3A_19 : memref<1000000xf32, #tpu.memory_space<hbm>>) target(%dma_start3A_15 : memref<128xf32, #tpu.memory_space<vmem>>) offsets(%dma_start3A_17 : memref<128xi32, #tpu.memory_space<vmem>>) semaphore(%arg10 : memref<!tpu.dma_semaphore, #tpu.memory_space<semaphore_mem>>)
    %dma_start3A_20 = arith.constant 8576 : i32
    %dma_start3A_21 = tpu.memref_slice %arg8[%dma_start3A_20] : memref<8704xf32, #tpu.memory_space<vmem>> -> memref<128xf32, #tpu.memory_space<vmem>>
    %dma_start3A_22 = arith.constant 384 : i32
    %dma_start3A_23 = tpu.memref_slice %arg6[%dma_start3A_22] : memref<512xi32, #tpu.memory_space<vmem>> -> memref<128xi32, #tpu.memory_space<vmem>>
    %dma_start3A_24 = arith.constant 0 : i32
    %dma_start3A_25 = tpu.memref_slice %arg4[%dma_start3A_24] : memref<1000000xf32, #tpu.memory_space<hbm>> -> memref<1000000xf32, #tpu.memory_space<hbm>>
    tpu.enqueue_indirect_dma source(%dma_start3A_25 : memref<1000000xf32, #tpu.memory_space<hbm>>) target(%dma_start3A_21 : memref<128xf32, #tpu.memory_space<vmem>>) offsets(%dma_start3A_23 : memref<128xi32, #tpu.memory_space<vmem>>) semaphore(%arg10 : memref<!tpu.dma_semaphore, #tpu.memory_space<semaphore_mem>>)
    %iota3A = tpu.iota {dimensions = array<i32: 0>} : vector<16xi32>
    %mul3A_26 = arith.constant 512 : i32
    %mul3A_27 = vector.broadcast %mul3A_26 : i32 to vector<16xi32>
    %mul3A_28 = arith.muli %iota3A, %mul3A_27 : vector<16xi32>
    %scan3A = arith.constant 0 : i32
    %scan3A_29 = arith.constant 0 : i32
    %scan3A_30 = arith.constant 32 : i32
    %scan3A_31 = arith.addi %scan3A_29, %scan3A_30 : i32
    %scan3A_32 = arith.constant 1 : i32
    scf.for %scan3A_295 = %scan3A_29 to %scan3A_31 step %scan3A_32  : i32 {
      %mul3A_296 = arith.constant 16 : i32
      %mul3A_297 = arith.muli %scan3A_295, %mul3A_296 : i32
      %get3A = arith.index_cast %mul3A_297 : i32 to index
      %get3A_298 = tpu.vector_load %arg6[%get3A] {strides = array<i32>} : memref<512xi32, #tpu.memory_space<vmem>>, vector<16xi32>,
      %slice3A = vector.extract_strided_slice %get3A_298 {offsets = [0], sizes = [1], strides = [1]} : vector<16xi32> to vector<1xi32>
      %squeeze3A = vector.extract %slice3A[0] : i32 from vector<1xi32>
      %shift_right_arithmetic3A = arith.constant 7 : i32
      %shift_right_arithmetic3A_299 = arith.shrsi %squeeze3A, %shift_right_arithmetic3A : i32
      %mul3A_300 = arith.constant 128 : i32
      %mul3A_301 = arith.muli %shift_right_arithmetic3A_299, %mul3A_300 : i32
      %dma_start3A_302 = arith.constant 0 : i32
      %dma_start3A_303 = arith.constant 0 : i32
      %dma_start3A_304 = arith.constant 0 : i32
      %dma_start3A_305 = tpu.memref_slice %arg7[%dma_start3A_302, %dma_start3A_303, %dma_start3A_304] : memref<16x16x128xf32, #tpu.memory_space<vmem>> -> memref<1x16x128xf32, #tpu.memory_space<vmem>>
      %dma_start3A_306 = tpu.memref_squeeze %dma_start3A_305 : memref<1x16x128xf32, #tpu.memory_space<vmem>> -> memref<16x128xf32, #tpu.memory_space<vmem>>
      %dma_start3A_307 = arith.constant 0 : i32
      %dma_start3A_308 = tpu.memref_slice %arg3[%dma_start3A_307, %mul3A_301] : memref<16x1000000xf32, #tpu.memory_space<hbm>> -> memref<16x128xf32, #tpu.memory_space<hbm>>
      %dma_start3A_309 = arith.constant 0 : i32
      %dma_start3A_310 = arith.constant 0 : i32
      %dma_start3A_311 = tpu.memref_slice %arg7[%dma_start3A_302, %dma_start3A_309, %dma_start3A_310] : memref<16x16x128xf32, #tpu.memory_space<vmem>> -> memref<1x16x128xf32, #tpu.memory_space<vmem>>
      %dma_start3A_312 = tpu.memref_squeeze %dma_start3A_311 : memref<1x16x128xf32, #tpu.memory_space<vmem>> -> memref<16x128xf32, #tpu.memory_space<vmem>>
      %dma_start3A_313 = arith.constant 0 : i32
      %dma_start3A_314 = tpu.memref_slice %arg3[%dma_start3A_313, %mul3A_301] : memref<16x1000000xf32, #tpu.memory_space<hbm>> -> memref<16x128xf32, #tpu.memory_space<hbm>>
      tpu.enqueue_dma source(%dma_start3A_314 : memref<16x128xf32, #tpu.memory_space<hbm>>) target(%dma_start3A_312 : memref<16x128xf32, #tpu.memory_space<vmem>>) target_semaphore(%arg9 : memref<!tpu.dma_semaphore, #tpu.memory_space<semaphore_mem>>)
      %slice3A_315 = vector.extract_strided_slice %get3A_298 {offsets = [1], sizes = [1], strides = [1]} : vector<16xi32> to vector<1xi32>
      %squeeze3A_316 = vector.extract %slice3A_315[0] : i32 from vector<1xi32>
      %shift_right_arithmetic3A_317 = arith.constant 7 : i32
      %shift_right_arithmetic3A_318 = arith.shrsi %squeeze3A_316, %shift_right_arithmetic3A_317 : i32
      %mul3A_319 = arith.constant 128 : i32
      %mul3A_320 = arith.muli %shift_right_arithmetic3A_318, %mul3A_319 : i32
      %dma_start3A_321 = arith.constant 1 : i32
      %dma_start3A_322 = arith.constant 0 : i32
      %dma_start3A_323 = arith.constant 0 : i32
      %dma_start3A_324 = tpu.memref_slice %arg7[%dma_start3A_321, %dma_start3A_322, %dma_start3A_323] : memref<16x16x128xf32, #tpu.memory_space<vmem>> -> memref<1x16x128xf32, #tpu.memory_space<vmem>>
      %dma_start3A_325 = tpu.memref_squeeze %dma_start3A_324 : memref<1x16x128xf32, #tpu.memory_space<vmem>> -> memref<16x128xf32, #tpu.memory_space<vmem>>
      %dma_start3A_326 = arith.constant 0 : i32
      %dma_start3A_327 = tpu.memref_slice %arg3[%dma_start3A_326, %mul3A_320] : memref<16x1000000xf32, #tpu.memory_space<hbm>> -> memref<16x128xf32, #tpu.memory_space<hbm>>
      %dma_start3A_328 = arith.constant 0 : i32
      %dma_start3A_329 = arith.constant 0 : i32
      %dma_start3A_330 = tpu.memref_slice %arg7[%dma_start3A_321, %dma_start3A_328, %dma_start3A_329] : memref<16x16x128xf32, #tpu.memory_space<vmem>> -> memref<1x16x128xf32, #tpu.memory_space<vmem>>
      %dma_start3A_331 = tpu.memref_squeeze %dma_start3A_330 : memref<1x16x128xf32, #tpu.memory_space<vmem>> -> memref<16x128xf32, #tpu.memory_space<vmem>>
      %dma_start3A_332 = arith.constant 0 : i32
      %dma_start3A_333 = tpu.memref_slice %arg3[%dma_start3A_332, %mul3A_320] : memref<16x1000000xf32, #tpu.memory_space<hbm>> -> memref<16x128xf32, #tpu.memory_space<hbm>>
      tpu.enqueue_dma source(%dma_start3A_333 : memref<16x128xf32, #tpu.memory_space<hbm>>) target(%dma_start3A_331 : memref<16x128xf32, #tpu.memory_space<vmem>>) target_semaphore(%arg9 : memref<!tpu.dma_semaphore, #tpu.memory_space<semaphore_mem>>)
      %slice3A_334 = vector.extract_strided_slice %get3A_298 {offsets = [2], sizes = [1], strides = [1]} : vector<16xi32> to vector<1xi32>
      %squeeze3A_335 = vector.extract %slice3A_334[0] : i32 from vector<1xi32>
      %shift_right_arithmetic3A_336 = arith.constant 7 : i32
      %shift_right_arithmetic3A_337 = arith.shrsi %squeeze3A_335, %shift_right_arithmetic3A_336 : i32
      %mul3A_338 = arith.constant 128 : i32
      %mul3A_339 = arith.muli %shift_right_arithmetic3A_337, %mul3A_338 : i32
      %dma_start3A_340 = arith.constant 2 : i32
      %dma_start3A_341 = arith.constant 0 : i32
      %dma_start3A_342 = arith.constant 0 : i32
      %dma_start3A_343 = tpu.memref_slice %arg7[%dma_start3A_340, %dma_start3A_341, %dma_start3A_342] : memref<16x16x128xf32, #tpu.memory_space<vmem>> -> memref<1x16x128xf32, #tpu.memory_space<vmem>>
      %dma_start3A_344 = tpu.memref_squeeze %dma_start3A_343 : memref<1x16x128xf32, #tpu.memory_space<vmem>> -> memref<16x128xf32, #tpu.memory_space<vmem>>
      %dma_start3A_345 = arith.constant 0 : i32
      %dma_start3A_346 = tpu.memref_slice %arg3[%dma_start3A_345, %mul3A_339] : memref<16x1000000xf32, #tpu.memory_space<hbm>> -> memref<16x128xf32, #tpu.memory_space<hbm>>
      %dma_start3A_347 = arith.constant 0 : i32
      %dma_start3A_348 = arith.constant 0 : i32
      %dma_start3A_349 = tpu.memref_slice %arg7[%dma_start3A_340, %dma_start3A_347, %dma_start3A_348] : memref<16x16x128xf32, #tpu.memory_space<vmem>> -> memref<1x16x128xf32, #tpu.memory_space<vmem>>
      %dma_start3A_350 = tpu.memref_squeeze %dma_start3A_349 : memref<1x16x128xf32, #tpu.memory_space<vmem>> -> memref<16x128xf32, #tpu.memory_space<vmem>>
      %dma_start3A_351 = arith.constant 0 : i32
      %dma_start3A_352 = tpu.memref_slice %arg3[%dma_start3A_351, %mul3A_339] : memref<16x1000000xf32, #tpu.memory_space<hbm>> -> memref<16x128xf32, #tpu.memory_space<hbm>>
      tpu.enqueue_dma source(%dma_start3A_352 : memref<16x128xf32, #tpu.memory_space<hbm>>) target(%dma_start3A_350 : memref<16x128xf32, #tpu.memory_space<vmem>>) target_semaphore(%arg9 : memref<!tpu.dma_semaphore, #tpu.memory_space<semaphore_mem>>)
      %slice3A_353 = vector.extract_strided_slice %get3A_298 {offsets = [3], sizes = [1], strides = [1]} : vector<16xi32> to vector<1xi32>
      %squeeze3A_354 = vector.extract %slice3A_353[0] : i32 from vector<1xi32>
      %shift_right_arithmetic3A_355 = arith.constant 7 : i32
      %shift_right_arithmetic3A_356 = arith.shrsi %squeeze3A_354, %shift_right_arithmetic3A_355 : i32
      %mul3A_357 = arith.constant 128 : i32
      %mul3A_358 = arith.muli %shift_right_arithmetic3A_356, %mul3A_357 : i32
      %dma_start3A_359 = arith.constant 3 : i32
      %dma_start3A_360 = arith.constant 0 : i32
      %dma_start3A_361 = arith.constant 0 : i32
      %dma_start3A_362 = tpu.memref_slice %arg7[%dma_start3A_359, %dma_start3A_360, %dma_start3A_361] : memref<16x16x128xf32, #tpu.memory_space<vmem>> -> memref<1x16x128xf32, #tpu.memory_space<vmem>>
      %dma_start3A_363 = tpu.memref_squeeze %dma_start3A_362 : memref<1x16x128xf32, #tpu.memory_space<vmem>> -> memref<16x128xf32, #tpu.memory_space<vmem>>
      %dma_start3A_364 = arith.constant 0 : i32
      %dma_start3A_365 = tpu.memref_slice %arg3[%dma_start3A_364, %mul3A_358] : memref<16x1000000xf32, #tpu.memory_space<hbm>> -> memref<16x128xf32, #tpu.memory_space<hbm>>
      %dma_start3A_366 = arith.constant 0 : i32
      %dma_start3A_367 = arith.constant 0 : i32
      %dma_start3A_368 = tpu.memref_slice %arg7[%dma_start3A_359, %dma_start3A_366, %dma_start3A_367] : memref<16x16x128xf32, #tpu.memory_space<vmem>> -> memref<1x16x128xf32, #tpu.memory_space<vmem>>
      %dma_start3A_369 = tpu.memref_squeeze %dma_start3A_368 : memref<1x16x128xf32, #tpu.memory_space<vmem>> -> memref<16x128xf32, #tpu.memory_space<vmem>>
      %dma_start3A_370 = arith.constant 0 : i32
      %dma_start3A_371 = tpu.memref_slice %arg3[%dma_start3A_370, %mul3A_358] : memref<16x1000000xf32, #tpu.memory_space<hbm>> -> memref<16x128xf32, #tpu.memory_space<hbm>>
      tpu.enqueue_dma source(%dma_start3A_371 : memref<16x128xf32, #tpu.memory_space<hbm>>) target(%dma_start3A_369 : memref<16x128xf32, #tpu.memory_space<vmem>>) target_semaphore(%arg9 : memref<!tpu.dma_semaphore, #tpu.memory_space<semaphore_mem>>)
      %slice3A_372 = vector.extract_strided_slice %get3A_298 {offsets = [4], sizes = [1], strides = [1]} : vector<16xi32> to vector<1xi32>
      %squeeze3A_373 = vector.extract %slice3A_372[0] : i32 from vector<1xi32>
      %shift_right_arithmetic3A_374 = arith.constant 7 : i32
      %shift_right_arithmetic3A_375 = arith.shrsi %squeeze3A_373, %shift_right_arithmetic3A_374 : i32
      %mul3A_376 = arith.constant 128 : i32
      %mul3A_377 = arith.muli %shift_right_arithmetic3A_375, %mul3A_376 : i32
      %dma_start3A_378 = arith.constant 4 : i32
      %dma_start3A_379 = arith.constant 0 : i32
      %dma_start3A_380 = arith.constant 0 : i32
      %dma_start3A_381 = tpu.memref_slice %arg7[%dma_start3A_378, %dma_start3A_379, %dma_start3A_380] : memref<16x16x128xf32, #tpu.memory_space<vmem>> -> memref<1x16x128xf32, #tpu.memory_space<vmem>>
      %dma_start3A_382 = tpu.memref_squeeze %dma_start3A_381 : memref<1x16x128xf32, #tpu.memory_space<vmem>> -> memref<16x128xf32, #tpu.memory_space<vmem>>
      %dma_start3A_383 = arith.constant 0 : i32
      %dma_start3A_384 = tpu.memref_slice %arg3[%dma_start3A_383, %mul3A_377] : memref<16x1000000xf32, #tpu.memory_space<hbm>> -> memref<16x128xf32, #tpu.memory_space<hbm>>
      %dma_start3A_385 = arith.constant 0 : i32
      %dma_start3A_386 = arith.constant 0 : i32
      %dma_start3A_387 = tpu.memref_slice %arg7[%dma_start3A_378, %dma_start3A_385, %dma_start3A_386] : memref<16x16x128xf32, #tpu.memory_space<vmem>> -> memref<1x16x128xf32, #tpu.memory_space<vmem>>
      %dma_start3A_388 = tpu.memref_squeeze %dma_start3A_387 : memref<1x16x128xf32, #tpu.memory_space<vmem>> -> memref<16x128xf32, #tpu.memory_space<vmem>>
      %dma_start3A_389 = arith.constant 0 : i32
      %dma_start3A_390 = tpu.memref_slice %arg3[%dma_start3A_389, %mul3A_377] : memref<16x1000000xf32, #tpu.memory_space<hbm>> -> memref<16x128xf32, #tpu.memory_space<hbm>>
      tpu.enqueue_dma source(%dma_start3A_390 : memref<16x128xf32, #tpu.memory_space<hbm>>) target(%dma_start3A_388 : memref<16x128xf32, #tpu.memory_space<vmem>>) target_semaphore(%arg9 : memref<!tpu.dma_semaphore, #tpu.memory_space<semaphore_mem>>)
      %slice3A_391 = vector.extract_strided_slice %get3A_298 {offsets = [5], sizes = [1], strides = [1]} : vector<16xi32> to vector<1xi32>
      %squeeze3A_392 = vector.extract %slice3A_391[0] : i32 from vector<1xi32>
      %shift_right_arithmetic3A_393 = arith.constant 7 : i32
      %shift_right_arithmetic3A_394 = arith.shrsi %squeeze3A_392, %shift_right_arithmetic3A_393 : i32
      %mul3A_395 = arith.constant 128 : i32
      %mul3A_396 = arith.muli %shift_right_arithmetic3A_394, %mul3A_395 : i32
      %dma_start3A_397 = arith.constant 5 : i32
      %dma_start3A_398 = arith.constant 0 : i32
      %dma_start3A_399 = arith.constant 0 : i32
      %dma_start3A_400 = tpu.memref_slice %arg7[%dma_start3A_397, %dma_start3A_398, %dma_start3A_399] : memref<16x16x128xf32, #tpu.memory_space<vmem>> -> memref<1x16x128xf32, #tpu.memory_space<vmem>>
      %dma_start3A_401 = tpu.memref_squeeze %dma_start3A_400 : memref<1x16x128xf32, #tpu.memory_space<vmem>> -> memref<16x128xf32, #tpu.memory_space<vmem>>
      %dma_start3A_402 = arith.constant 0 : i32
      %dma_start3A_403 = tpu.memref_slice %arg3[%dma_start3A_402, %mul3A_396] : memref<16x1000000xf32, #tpu.memory_space<hbm>> -> memref<16x128xf32, #tpu.memory_space<hbm>>
      %dma_start3A_404 = arith.constant 0 : i32
      %dma_start3A_405 = arith.constant 0 : i32
      %dma_start3A_406 = tpu.memref_slice %arg7[%dma_start3A_397, %dma_start3A_404, %dma_start3A_405] : memref<16x16x128xf32, #tpu.memory_space<vmem>> -> memref<1x16x128xf32, #tpu.memory_space<vmem>>
      %dma_start3A_407 = tpu.memref_squeeze %dma_start3A_406 : memref<1x16x128xf32, #tpu.memory_space<vmem>> -> memref<16x128xf32, #tpu.memory_space<vmem>>
      %dma_start3A_408 = arith.constant 0 : i32
      %dma_start3A_409 = tpu.memref_slice %arg3[%dma_start3A_408, %mul3A_396] : memref<16x1000000xf32, #tpu.memory_space<hbm>> -> memref<16x128xf32, #tpu.memory_space<hbm>>
      tpu.enqueue_dma source(%dma_start3A_409 : memref<16x128xf32, #tpu.memory_space<hbm>>) target(%dma_start3A_407 : memref<16x128xf32, #tpu.memory_space<vmem>>) target_semaphore(%arg9 : memref<!tpu.dma_semaphore, #tpu.memory_space<semaphore_mem>>)
      %slice3A_410 = vector.extract_strided_slice %get3A_298 {offsets = [6], sizes = [1], strides = [1]} : vector<16xi32> to vector<1xi32>
      %squeeze3A_411 = vector.extract %slice3A_410[0] : i32 from vector<1xi32>
      %shift_right_arithmetic3A_412 = arith.constant 7 : i32
      %shift_right_arithmetic3A_413 = arith.shrsi %squeeze3A_411, %shift_right_arithmetic3A_412 : i32
      %mul3A_414 = arith.constant 128 : i32
      %mul3A_415 = arith.muli %shift_right_arithmetic3A_413, %mul3A_414 : i32
      %dma_start3A_416 = arith.constant 6 : i32
      %dma_start3A_417 = arith.constant 0 : i32
      %dma_start3A_418 = arith.constant 0 : i32
      %dma_start3A_419 = tpu.memref_slice %arg7[%dma_start3A_416, %dma_start3A_417, %dma_start3A_418] : memref<16x16x128xf32, #tpu.memory_space<vmem>> -> memref<1x16x128xf32, #tpu.memory_space<vmem>>
      %dma_start3A_420 = tpu.memref_squeeze %dma_start3A_419 : memref<1x16x128xf32, #tpu.memory_space<vmem>> -> memref<16x128xf32, #tpu.memory_space<vmem>>
      %dma_start3A_421 = arith.constant 0 : i32
      %dma_start3A_422 = tpu.memref_slice %arg3[%dma_start3A_421, %mul3A_415] : memref<16x1000000xf32, #tpu.memory_space<hbm>> -> memref<16x128xf32, #tpu.memory_space<hbm>>
      %dma_start3A_423 = arith.constant 0 : i32
      %dma_start3A_424 = arith.constant 0 : i32
      %dma_start3A_425 = tpu.memref_slice %arg7[%dma_start3A_416, %dma_start3A_423, %dma_start3A_424] : memref<16x16x128xf32, #tpu.memory_space<vmem>> -> memref<1x16x128xf32, #tpu.memory_space<vmem>>
      %dma_start3A_426 = tpu.memref_squeeze %dma_start3A_425 : memref<1x16x128xf32, #tpu.memory_space<vmem>> -> memref<16x128xf32, #tpu.memory_space<vmem>>
      %dma_start3A_427 = arith.constant 0 : i32
      %dma_start3A_428 = tpu.memref_slice %arg3[%dma_start3A_427, %mul3A_415] : memref<16x1000000xf32, #tpu.memory_space<hbm>> -> memref<16x128xf32, #tpu.memory_space<hbm>>
      tpu.enqueue_dma source(%dma_start3A_428 : memref<16x128xf32, #tpu.memory_space<hbm>>) target(%dma_start3A_426 : memref<16x128xf32, #tpu.memory_space<vmem>>) target_semaphore(%arg9 : memref<!tpu.dma_semaphore, #tpu.memory_space<semaphore_mem>>)
      %slice3A_429 = vector.extract_strided_slice %get3A_298 {offsets = [7], sizes = [1], strides = [1]} : vector<16xi32> to vector<1xi32>
      %squeeze3A_430 = vector.extract %slice3A_429[0] : i32 from vector<1xi32>
      %shift_right_arithmetic3A_431 = arith.constant 7 : i32
      %shift_right_arithmetic3A_432 = arith.shrsi %squeeze3A_430, %shift_right_arithmetic3A_431 : i32
      %mul3A_433 = arith.constant 128 : i32
      %mul3A_434 = arith.muli %shift_right_arithmetic3A_432, %mul3A_433 : i32
      %dma_start3A_435 = arith.constant 7 : i32
      %dma_start3A_436 = arith.constant 0 : i32
      %dma_start3A_437 = arith.constant 0 : i32
      %dma_start3A_438 = tpu.memref_slice %arg7[%dma_start3A_435, %dma_start3A_436, %dma_start3A_437] : memref<16x16x128xf32, #tpu.memory_space<vmem>> -> memref<1x16x128xf32, #tpu.memory_space<vmem>>
      %dma_start3A_439 = tpu.memref_squeeze %dma_start3A_438 : memref<1x16x128xf32, #tpu.memory_space<vmem>> -> memref<16x128xf32, #tpu.memory_space<vmem>>
      %dma_start3A_440 = arith.constant 0 : i32
      %dma_start3A_441 = tpu.memref_slice %arg3[%dma_start3A_440, %mul3A_434] : memref<16x1000000xf32, #tpu.memory_space<hbm>> -> memref<16x128xf32, #tpu.memory_space<hbm>>
      %dma_start3A_442 = arith.constant 0 : i32
      %dma_start3A_443 = arith.constant 0 : i32
      %dma_start3A_444 = tpu.memref_slice %arg7[%dma_start3A_435, %dma_start3A_442, %dma_start3A_443] : memref<16x16x128xf32, #tpu.memory_space<vmem>> -> memref<1x16x128xf32, #tpu.memory_space<vmem>>
      %dma_start3A_445 = tpu.memref_squeeze %dma_start3A_444 : memref<1x16x128xf32, #tpu.memory_space<vmem>> -> memref<16x128xf32, #tpu.memory_space<vmem>>
      %dma_start3A_446 = arith.constant 0 : i32
      %dma_start3A_447 = tpu.memref_slice %arg3[%dma_start3A_446, %mul3A_434] : memref<16x1000000xf32, #tpu.memory_space<hbm>> -> memref<16x128xf32, #tpu.memory_space<hbm>>
      tpu.enqueue_dma source(%dma_start3A_447 : memref<16x128xf32, #tpu.memory_space<hbm>>) target(%dma_start3A_445 : memref<16x128xf32, #tpu.memory_space<vmem>>) target_semaphore(%arg9 : memref<!tpu.dma_semaphore, #tpu.memory_space<semaphore_mem>>)
      %slice3A_448 = vector.extract_strided_slice %get3A_298 {offsets = [8], sizes = [1], strides = [1]} : vector<16xi32> to vector<1xi32>
      %squeeze3A_449 = vector.extract %slice3A_448[0] : i32 from vector<1xi32>
      %shift_right_arithmetic3A_450 = arith.constant 7 : i32
      %shift_right_arithmetic3A_451 = arith.shrsi %squeeze3A_449, %shift_right_arithmetic3A_450 : i32
      %mul3A_452 = arith.constant 128 : i32
      %mul3A_453 = arith.muli %shift_right_arithmetic3A_451, %mul3A_452 : i32
      %dma_start3A_454 = arith.constant 8 : i32
      %dma_start3A_455 = arith.constant 0 : i32
      %dma_start3A_456 = arith.constant 0 : i32
      %dma_start3A_457 = tpu.memref_slice %arg7[%dma_start3A_454, %dma_start3A_455, %dma_start3A_456] : memref<16x16x128xf32, #tpu.memory_space<vmem>> -> memref<1x16x128xf32, #tpu.memory_space<vmem>>
      %dma_start3A_458 = tpu.memref_squeeze %dma_start3A_457 : memref<1x16x128xf32, #tpu.memory_space<vmem>> -> memref<16x128xf32, #tpu.memory_space<vmem>>
      %dma_start3A_459 = arith.constant 0 : i32
      %dma_start3A_460 = tpu.memref_slice %arg3[%dma_start3A_459, %mul3A_453] : memref<16x1000000xf32, #tpu.memory_space<hbm>> -> memref<16x128xf32, #tpu.memory_space<hbm>>
      %dma_start3A_461 = arith.constant 0 : i32
      %dma_start3A_462 = arith.constant 0 : i32
      %dma_start3A_463 = tpu.memref_slice %arg7[%dma_start3A_454, %dma_start3A_461, %dma_start3A_462] : memref<16x16x128xf32, #tpu.memory_space<vmem>> -> memref<1x16x128xf32, #tpu.memory_space<vmem>>
      %dma_start3A_464 = tpu.memref_squeeze %dma_start3A_463 : memref<1x16x128xf32, #tpu.memory_space<vmem>> -> memref<16x128xf32, #tpu.memory_space<vmem>>
      %dma_start3A_465 = arith.constant 0 : i32
      %dma_start3A_466 = tpu.memref_slice %arg3[%dma_start3A_465, %mul3A_453] : memref<16x1000000xf32, #tpu.memory_space<hbm>> -> memref<16x128xf32, #tpu.memory_space<hbm>>
      tpu.enqueue_dma source(%dma_start3A_466 : memref<16x128xf32, #tpu.memory_space<hbm>>) target(%dma_start3A_464 : memref<16x128xf32, #tpu.memory_space<vmem>>) target_semaphore(%arg9 : memref<!tpu.dma_semaphore, #tpu.memory_space<semaphore_mem>>)
      %slice3A_467 = vector.extract_strided_slice %get3A_298 {offsets = [9], sizes = [1], strides = [1]} : vector<16xi32> to vector<1xi32>
      %squeeze3A_468 = vector.extract %slice3A_467[0] : i32 from vector<1xi32>
      %shift_right_arithmetic3A_469 = arith.constant 7 : i32
      %shift_right_arithmetic3A_470 = arith.shrsi %squeeze3A_468, %shift_right_arithmetic3A_469 : i32
      %mul3A_471 = arith.constant 128 : i32
      %mul3A_472 = arith.muli %shift_right_arithmetic3A_470, %mul3A_471 : i32
      %dma_start3A_473 = arith.constant 9 : i32
      %dma_start3A_474 = arith.constant 0 : i32
      %dma_start3A_475 = arith.constant 0 : i32
      %dma_start3A_476 = tpu.memref_slice %arg7[%dma_start3A_473, %dma_start3A_474, %dma_start3A_475] : memref<16x16x128xf32, #tpu.memory_space<vmem>> -> memref<1x16x128xf32, #tpu.memory_space<vmem>>
      %dma_start3A_477 = tpu.memref_squeeze %dma_start3A_476 : memref<1x16x128xf32, #tpu.memory_space<vmem>> -> memref<16x128xf32, #tpu.memory_space<vmem>>
      %dma_start3A_478 = arith.constant 0 : i32
      %dma_start3A_479 = tpu.memref_slice %arg3[%dma_start3A_478, %mul3A_472] : memref<16x1000000xf32, #tpu.memory_space<hbm>> -> memref<16x128xf32, #tpu.memory_space<hbm>>
      %dma_start3A_480 = arith.constant 0 : i32
      %dma_start3A_481 = arith.constant 0 : i32
      %dma_start3A_482 = tpu.memref_slice %arg7[%dma_start3A_473, %dma_start3A_480, %dma_start3A_481] : memref<16x16x128xf32, #tpu.memory_space<vmem>> -> memref<1x16x128xf32, #tpu.memory_space<vmem>>
      %dma_start3A_483 = tpu.memref_squeeze %dma_start3A_482 : memref<1x16x128xf32, #tpu.memory_space<vmem>> -> memref<16x128xf32, #tpu.memory_space<vmem>>
      %dma_start3A_484 = arith.constant 0 : i32
      %dma_start3A_485 = tpu.memref_slice %arg3[%dma_start3A_484, %mul3A_472] : memref<16x1000000xf32, #tpu.memory_space<hbm>> -> memref<16x128xf32, #tpu.memory_space<hbm>>
      tpu.enqueue_dma source(%dma_start3A_485 : memref<16x128xf32, #tpu.memory_space<hbm>>) target(%dma_start3A_483 : memref<16x128xf32, #tpu.memory_space<vmem>>) target_semaphore(%arg9 : memref<!tpu.dma_semaphore, #tpu.memory_space<semaphore_mem>>)
      %slice3A_486 = vector.extract_strided_slice %get3A_298 {offsets = [10], sizes = [1], strides = [1]} : vector<16xi32> to vector<1xi32>
      %squeeze3A_487 = vector.extract %slice3A_486[0] : i32 from vector<1xi32>
      %shift_right_arithmetic3A_488 = arith.constant 7 : i32
      %shift_right_arithmetic3A_489 = arith.shrsi %squeeze3A_487, %shift_right_arithmetic3A_488 : i32
      %mul3A_490 = arith.constant 128 : i32
      %mul3A_491 = arith.muli %shift_right_arithmetic3A_489, %mul3A_490 : i32
      %dma_start3A_492 = arith.constant 10 : i32
      %dma_start3A_493 = arith.constant 0 : i32
      %dma_start3A_494 = arith.constant 0 : i32
      %dma_start3A_495 = tpu.memref_slice %arg7[%dma_start3A_492, %dma_start3A_493, %dma_start3A_494] : memref<16x16x128xf32, #tpu.memory_space<vmem>> -> memref<1x16x128xf32, #tpu.memory_space<vmem>>
      %dma_start3A_496 = tpu.memref_squeeze %dma_start3A_495 : memref<1x16x128xf32, #tpu.memory_space<vmem>> -> memref<16x128xf32, #tpu.memory_space<vmem>>
      %dma_start3A_497 = arith.constant 0 : i32
      %dma_start3A_498 = tpu.memref_slice %arg3[%dma_start3A_497, %mul3A_491] : memref<16x1000000xf32, #tpu.memory_space<hbm>> -> memref<16x128xf32, #tpu.memory_space<hbm>>
      %dma_start3A_499 = arith.constant 0 : i32
      %dma_start3A_500 = arith.constant 0 : i32
      %dma_start3A_501 = tpu.memref_slice %arg7[%dma_start3A_492, %dma_start3A_499, %dma_start3A_500] : memref<16x16x128xf32, #tpu.memory_space<vmem>> -> memref<1x16x128xf32, #tpu.memory_space<vmem>>
      %dma_start3A_502 = tpu.memref_squeeze %dma_start3A_501 : memref<1x16x128xf32, #tpu.memory_space<vmem>> -> memref<16x128xf32, #tpu.memory_space<vmem>>
      %dma_start3A_503 = arith.constant 0 : i32
      %dma_start3A_504 = tpu.memref_slice %arg3[%dma_start3A_503, %mul3A_491] : memref<16x1000000xf32, #tpu.memory_space<hbm>> -> memref<16x128xf32, #tpu.memory_space<hbm>>
      tpu.enqueue_dma source(%dma_start3A_504 : memref<16x128xf32, #tpu.memory_space<hbm>>) target(%dma_start3A_502 : memref<16x128xf32, #tpu.memory_space<vmem>>) target_semaphore(%arg9 : memref<!tpu.dma_semaphore, #tpu.memory_space<semaphore_mem>>)
      %slice3A_505 = vector.extract_strided_slice %get3A_298 {offsets = [11], sizes = [1], strides = [1]} : vector<16xi32> to vector<1xi32>
      %squeeze3A_506 = vector.extract %slice3A_505[0] : i32 from vector<1xi32>
      %shift_right_arithmetic3A_507 = arith.constant 7 : i32
      %shift_right_arithmetic3A_508 = arith.shrsi %squeeze3A_506, %shift_right_arithmetic3A_507 : i32
      %mul3A_509 = arith.constant 128 : i32
      %mul3A_510 = arith.muli %shift_right_arithmetic3A_508, %mul3A_509 : i32
      %dma_start3A_511 = arith.constant 11 : i32
      %dma_start3A_512 = arith.constant 0 : i32
      %dma_start3A_513 = arith.constant 0 : i32
      %dma_start3A_514 = tpu.memref_slice %arg7[%dma_start3A_511, %dma_start3A_512, %dma_start3A_513] : memref<16x16x128xf32, #tpu.memory_space<vmem>> -> memref<1x16x128xf32, #tpu.memory_space<vmem>>
      %dma_start3A_515 = tpu.memref_squeeze %dma_start3A_514 : memref<1x16x128xf32, #tpu.memory_space<vmem>> -> memref<16x128xf32, #tpu.memory_space<vmem>>
      %dma_start3A_516 = arith.constant 0 : i32
      %dma_start3A_517 = tpu.memref_slice %arg3[%dma_start3A_516, %mul3A_510] : memref<16x1000000xf32, #tpu.memory_space<hbm>> -> memref<16x128xf32, #tpu.memory_space<hbm>>
      %dma_start3A_518 = arith.constant 0 : i32
      %dma_start3A_519 = arith.constant 0 : i32
      %dma_start3A_520 = tpu.memref_slice %arg7[%dma_start3A_511, %dma_start3A_518, %dma_start3A_519] : memref<16x16x128xf32, #tpu.memory_space<vmem>> -> memref<1x16x128xf32, #tpu.memory_space<vmem>>
      %dma_start3A_521 = tpu.memref_squeeze %dma_start3A_520 : memref<1x16x128xf32, #tpu.memory_space<vmem>> -> memref<16x128xf32, #tpu.memory_space<vmem>>
      %dma_start3A_522 = arith.constant 0 : i32
      %dma_start3A_523 = tpu.memref_slice %arg3[%dma_start3A_522, %mul3A_510] : memref<16x1000000xf32, #tpu.memory_space<hbm>> -> memref<16x128xf32, #tpu.memory_space<hbm>>
      tpu.enqueue_dma source(%dma_start3A_523 : memref<16x128xf32, #tpu.memory_space<hbm>>) target(%dma_start3A_521 : memref<16x128xf32, #tpu.memory_space<vmem>>) target_semaphore(%arg9 : memref<!tpu.dma_semaphore, #tpu.memory_space<semaphore_mem>>)
      %slice3A_524 = vector.extract_strided_slice %get3A_298 {offsets = [12], sizes = [1], strides = [1]} : vector<16xi32> to vector<1xi32>
      %squeeze3A_525 = vector.extract %slice3A_524[0] : i32 from vector<1xi32>
      %shift_right_arithmetic3A_526 = arith.constant 7 : i32
      %shift_right_arithmetic3A_527 = arith.shrsi %squeeze3A_525, %shift_right_arithmetic3A_526 : i32
      %mul3A_528 = arith.constant 128 : i32
      %mul3A_529 = arith.muli %shift_right_arithmetic3A_527, %mul3A_528 : i32
      %dma_start3A_530 = arith.constant 12 : i32
      %dma_start3A_531 = arith.constant 0 : i32
      %dma_start3A_532 = arith.constant 0 : i32
      %dma_start3A_533 = tpu.memref_slice %arg7[%dma_start3A_530, %dma_start3A_531, %dma_start3A_532] : memref<16x16x128xf32, #tpu.memory_space<vmem>> -> memref<1x16x128xf32, #tpu.memory_space<vmem>>
      %dma_start3A_534 = tpu.memref_squeeze %dma_start3A_533 : memref<1x16x128xf32, #tpu.memory_space<vmem>> -> memref<16x128xf32, #tpu.memory_space<vmem>>
      %dma_start3A_535 = arith.constant 0 : i32
      %dma_start3A_536 = tpu.memref_slice %arg3[%dma_start3A_535, %mul3A_529] : memref<16x1000000xf32, #tpu.memory_space<hbm>> -> memref<16x128xf32, #tpu.memory_space<hbm>>
      %dma_start3A_537 = arith.constant 0 : i32
      %dma_start3A_538 = arith.constant 0 : i32
      %dma_start3A_539 = tpu.memref_slice %arg7[%dma_start3A_530, %dma_start3A_537, %dma_start3A_538] : memref<16x16x128xf32, #tpu.memory_space<vmem>> -> memref<1x16x128xf32, #tpu.memory_space<vmem>>
      %dma_start3A_540 = tpu.memref_squeeze %dma_start3A_539 : memref<1x16x128xf32, #tpu.memory_space<vmem>> -> memref<16x128xf32, #tpu.memory_space<vmem>>
      %dma_start3A_541 = arith.constant 0 : i32
      %dma_start3A_542 = tpu.memref_slice %arg3[%dma_start3A_541, %mul3A_529] : memref<16x1000000xf32, #tpu.memory_space<hbm>> -> memref<16x128xf32, #tpu.memory_space<hbm>>
      tpu.enqueue_dma source(%dma_start3A_542 : memref<16x128xf32, #tpu.memory_space<hbm>>) target(%dma_start3A_540 : memref<16x128xf32, #tpu.memory_space<vmem>>) target_semaphore(%arg9 : memref<!tpu.dma_semaphore, #tpu.memory_space<semaphore_mem>>)
      %slice3A_543 = vector.extract_strided_slice %get3A_298 {offsets = [13], sizes = [1], strides = [1]} : vector<16xi32> to vector<1xi32>
      %squeeze3A_544 = vector.extract %slice3A_543[0] : i32 from vector<1xi32>
      %shift_right_arithmetic3A_545 = arith.constant 7 : i32
      %shift_right_arithmetic3A_546 = arith.shrsi %squeeze3A_544, %shift_right_arithmetic3A_545 : i32
      %mul3A_547 = arith.constant 128 : i32
      %mul3A_548 = arith.muli %shift_right_arithmetic3A_546, %mul3A_547 : i32
      %dma_start3A_549 = arith.constant 13 : i32
      %dma_start3A_550 = arith.constant 0 : i32
      %dma_start3A_551 = arith.constant 0 : i32
      %dma_start3A_552 = tpu.memref_slice %arg7[%dma_start3A_549, %dma_start3A_550, %dma_start3A_551] : memref<16x16x128xf32, #tpu.memory_space<vmem>> -> memref<1x16x128xf32, #tpu.memory_space<vmem>>
      %dma_start3A_553 = tpu.memref_squeeze %dma_start3A_552 : memref<1x16x128xf32, #tpu.memory_space<vmem>> -> memref<16x128xf32, #tpu.memory_space<vmem>>
      %dma_start3A_554 = arith.constant 0 : i32
      %dma_start3A_555 = tpu.memref_slice %arg3[%dma_start3A_554, %mul3A_548] : memref<16x1000000xf32, #tpu.memory_space<hbm>> -> memref<16x128xf32, #tpu.memory_space<hbm>>
      %dma_start3A_556 = arith.constant 0 : i32
      %dma_start3A_557 = arith.constant 0 : i32
      %dma_start3A_558 = tpu.memref_slice %arg7[%dma_start3A_549, %dma_start3A_556, %dma_start3A_557] : memref<16x16x128xf32, #tpu.memory_space<vmem>> -> memref<1x16x128xf32, #tpu.memory_space<vmem>>
      %dma_start3A_559 = tpu.memref_squeeze %dma_start3A_558 : memref<1x16x128xf32, #tpu.memory_space<vmem>> -> memref<16x128xf32, #tpu.memory_space<vmem>>
      %dma_start3A_560 = arith.constant 0 : i32
      %dma_start3A_561 = tpu.memref_slice %arg3[%dma_start3A_560, %mul3A_548] : memref<16x1000000xf32, #tpu.memory_space<hbm>> -> memref<16x128xf32, #tpu.memory_space<hbm>>
      tpu.enqueue_dma source(%dma_start3A_561 : memref<16x128xf32, #tpu.memory_space<hbm>>) target(%dma_start3A_559 : memref<16x128xf32, #tpu.memory_space<vmem>>) target_semaphore(%arg9 : memref<!tpu.dma_semaphore, #tpu.memory_space<semaphore_mem>>)
      %slice3A_562 = vector.extract_strided_slice %get3A_298 {offsets = [14], sizes = [1], strides = [1]} : vector<16xi32> to vector<1xi32>
      %squeeze3A_563 = vector.extract %slice3A_562[0] : i32 from vector<1xi32>
      %shift_right_arithmetic3A_564 = arith.constant 7 : i32
      %shift_right_arithmetic3A_565 = arith.shrsi %squeeze3A_563, %shift_right_arithmetic3A_564 : i32
      %mul3A_566 = arith.constant 128 : i32
      %mul3A_567 = arith.muli %shift_right_arithmetic3A_565, %mul3A_566 : i32
      %dma_start3A_568 = arith.constant 14 : i32
      %dma_start3A_569 = arith.constant 0 : i32
      %dma_start3A_570 = arith.constant 0 : i32
      %dma_start3A_571 = tpu.memref_slice %arg7[%dma_start3A_568, %dma_start3A_569, %dma_start3A_570] : memref<16x16x128xf32, #tpu.memory_space<vmem>> -> memref<1x16x128xf32, #tpu.memory_space<vmem>>
      %dma_start3A_572 = tpu.memref_squeeze %dma_start3A_571 : memref<1x16x128xf32, #tpu.memory_space<vmem>> -> memref<16x128xf32, #tpu.memory_space<vmem>>
      %dma_start3A_573 = arith.constant 0 : i32
      %dma_start3A_574 = tpu.memref_slice %arg3[%dma_start3A_573, %mul3A_567] : memref<16x1000000xf32, #tpu.memory_space<hbm>> -> memref<16x128xf32, #tpu.memory_space<hbm>>
      %dma_start3A_575 = arith.constant 0 : i32
      %dma_start3A_576 = arith.constant 0 : i32
      %dma_start3A_577 = tpu.memref_slice %arg7[%dma_start3A_568, %dma_start3A_575, %dma_start3A_576] : memref<16x16x128xf32, #tpu.memory_space<vmem>> -> memref<1x16x128xf32, #tpu.memory_space<vmem>>
      %dma_start3A_578 = tpu.memref_squeeze %dma_start3A_577 : memref<1x16x128xf32, #tpu.memory_space<vmem>> -> memref<16x128xf32, #tpu.memory_space<vmem>>
      %dma_start3A_579 = arith.constant 0 : i32
      %dma_start3A_580 = tpu.memref_slice %arg3[%dma_start3A_579, %mul3A_567] : memref<16x1000000xf32, #tpu.memory_space<hbm>> -> memref<16x128xf32, #tpu.memory_space<hbm>>
      tpu.enqueue_dma source(%dma_start3A_580 : memref<16x128xf32, #tpu.memory_space<hbm>>) target(%dma_start3A_578 : memref<16x128xf32, #tpu.memory_space<vmem>>) target_semaphore(%arg9 : memref<!tpu.dma_semaphore, #tpu.memory_space<semaphore_mem>>)
      %slice3A_581 = vector.extract_strided_slice %get3A_298 {offsets = [15], sizes = [1], strides = [1]} : vector<16xi32> to vector<1xi32>
      %squeeze3A_582 = vector.extract %slice3A_581[0] : i32 from vector<1xi32>
      %shift_right_arithmetic3A_583 = arith.constant 7 : i32
      %shift_right_arithmetic3A_584 = arith.shrsi %squeeze3A_582, %shift_right_arithmetic3A_583 : i32
      %mul3A_585 = arith.constant 128 : i32
      %mul3A_586 = arith.muli %shift_right_arithmetic3A_584, %mul3A_585 : i32
      %dma_start3A_587 = arith.constant 15 : i32
      %dma_start3A_588 = arith.constant 0 : i32
      %dma_start3A_589 = arith.constant 0 : i32
      %dma_start3A_590 = tpu.memref_slice %arg7[%dma_start3A_587, %dma_start3A_588, %dma_start3A_589] : memref<16x16x128xf32, #tpu.memory_space<vmem>> -> memref<1x16x128xf32, #tpu.memory_space<vmem>>
      %dma_start3A_591 = tpu.memref_squeeze %dma_start3A_590 : memref<1x16x128xf32, #tpu.memory_space<vmem>> -> memref<16x128xf32, #tpu.memory_space<vmem>>
      %dma_start3A_592 = arith.constant 0 : i32
      %dma_start3A_593 = tpu.memref_slice %arg3[%dma_start3A_592, %mul3A_586] : memref<16x1000000xf32, #tpu.memory_space<hbm>> -> memref<16x128xf32, #tpu.memory_space<hbm>>
      %dma_start3A_594 = arith.constant 0 : i32
      %dma_start3A_595 = arith.constant 0 : i32
      %dma_start3A_596 = tpu.memref_slice %arg7[%dma_start3A_587, %dma_start3A_594, %dma_start3A_595] : memref<16x16x128xf32, #tpu.memory_space<vmem>> -> memref<1x16x128xf32, #tpu.memory_space<vmem>>
      %dma_start3A_597 = tpu.memref_squeeze %dma_start3A_596 : memref<1x16x128xf32, #tpu.memory_space<vmem>> -> memref<16x128xf32, #tpu.memory_space<vmem>>
      %dma_start3A_598 = arith.constant 0 : i32
      %dma_start3A_599 = tpu.memref_slice %arg3[%dma_start3A_598, %mul3A_586] : memref<16x1000000xf32, #tpu.memory_space<hbm>> -> memref<16x128xf32, #tpu.memory_space<hbm>>
      tpu.enqueue_dma source(%dma_start3A_599 : memref<16x128xf32, #tpu.memory_space<hbm>>) target(%dma_start3A_597 : memref<16x128xf32, #tpu.memory_space<vmem>>) target_semaphore(%arg9 : memref<!tpu.dma_semaphore, #tpu.memory_space<semaphore_mem>>)
      %dma_wait3A_600 = arith.constant 0 : i32
      %dma_wait3A_601 = arith.constant 0 : i32
      %dma_wait3A_602 = arith.constant 0 : i32
      %dma_wait3A_603 = tpu.memref_slice %arg7[%dma_wait3A_600, %dma_wait3A_601, %dma_wait3A_602] : memref<16x16x128xf32, #tpu.memory_space<vmem>> -> memref<1x16x128xf32, #tpu.memory_space<vmem>>
      %dma_wait3A_604 = tpu.memref_squeeze %dma_wait3A_603 : memref<1x16x128xf32, #tpu.memory_space<vmem>> -> memref<16x128xf32, #tpu.memory_space<vmem>>
      %dma_wait3A_605 = arith.constant 0 : i32
      %dma_wait3A_606 = arith.constant 0 : i32
      %dma_wait3A_607 = tpu.memref_slice %arg3[%dma_wait3A_605, %dma_wait3A_606] : memref<16x1000000xf32, #tpu.memory_space<hbm>> -> memref<16x128xf32, #tpu.memory_space<hbm>>
      %dma_wait3A_608 = arith.constant 0 : i32
      %dma_wait3A_609 = arith.constant 0 : i32
      %dma_wait3A_610 = tpu.memref_slice %arg7[%dma_wait3A_600, %dma_wait3A_608, %dma_wait3A_609] : memref<16x16x128xf32, #tpu.memory_space<vmem>> -> memref<1x16x128xf32, #tpu.memory_space<vmem>>
      %dma_wait3A_611 = tpu.memref_squeeze %dma_wait3A_610 : memref<1x16x128xf32, #tpu.memory_space<vmem>> -> memref<16x128xf32, #tpu.memory_space<vmem>>
      %dma_wait3A_612 = arith.constant 0 : i32
      %dma_wait3A_613 = arith.constant 0 : i32
      %dma_wait3A_614 = tpu.memref_slice %arg3[%dma_wait3A_612, %dma_wait3A_613] : memref<16x1000000xf32, #tpu.memory_space<hbm>> -> memref<16x128xf32, #tpu.memory_space<hbm>>
      tpu.wait_dma2 semaphore(%arg9 : memref<!tpu.dma_semaphore, #tpu.memory_space<semaphore_mem>>) src(%dma_wait3A_614 : memref<16x128xf32, #tpu.memory_space<hbm>>) dst(%dma_wait3A_611 : memref<16x128xf32, #tpu.memory_space<vmem>>)
      %dma_wait3A_615 = arith.constant 1 : i32
      %dma_wait3A_616 = arith.constant 0 : i32
      %dma_wait3A_617 = arith.constant 0 : i32
      %dma_wait3A_618 = tpu.memref_slice %arg7[%dma_wait3A_615, %dma_wait3A_616, %dma_wait3A_617] : memref<16x16x128xf32, #tpu.memory_space<vmem>> -> memref<1x16x128xf32, #tpu.memory_space<vmem>>
      %dma_wait3A_619 = tpu.memref_squeeze %dma_wait3A_618 : memref<1x16x128xf32, #tpu.memory_space<vmem>> -> memref<16x128xf32, #tpu.memory_space<vmem>>
      %dma_wait3A_620 = arith.constant 0 : i32
      %dma_wait3A_621 = arith.constant 0 : i32
      %dma_wait3A_622 = tpu.memref_slice %arg3[%dma_wait3A_620, %dma_wait3A_621] : memref<16x1000000xf32, #tpu.memory_space<hbm>> -> memref<16x128xf32, #tpu.memory_space<hbm>>
      %dma_wait3A_623 = arith.constant 0 : i32
      %dma_wait3A_624 = arith.constant 0 : i32
      %dma_wait3A_625 = tpu.memref_slice %arg7[%dma_wait3A_615, %dma_wait3A_623, %dma_wait3A_624] : memref<16x16x128xf32, #tpu.memory_space<vmem>> -> memref<1x16x128xf32, #tpu.memory_space<vmem>>
      %dma_wait3A_626 = tpu.memref_squeeze %dma_wait3A_625 : memref<1x16x128xf32, #tpu.memory_space<vmem>> -> memref<16x128xf32, #tpu.memory_space<vmem>>
      %dma_wait3A_627 = arith.constant 0 : i32
      %dma_wait3A_628 = arith.constant 0 : i32
      %dma_wait3A_629 = tpu.memref_slice %arg3[%dma_wait3A_627, %dma_wait3A_628] : memref<16x1000000xf32, #tpu.memory_space<hbm>> -> memref<16x128xf32, #tpu.memory_space<hbm>>
      tpu.wait_dma2 semaphore(%arg9 : memref<!tpu.dma_semaphore, #tpu.memory_space<semaphore_mem>>) src(%dma_wait3A_629 : memref<16x128xf32, #tpu.memory_space<hbm>>) dst(%dma_wait3A_626 : memref<16x128xf32, #tpu.memory_space<vmem>>)
      %dma_wait3A_630 = arith.constant 2 : i32
      %dma_wait3A_631 = arith.constant 0 : i32
      %dma_wait3A_632 = arith.constant 0 : i32
      %dma_wait3A_633 = tpu.memref_slice %arg7[%dma_wait3A_630, %dma_wait3A_631, %dma_wait3A_632] : memref<16x16x128xf32, #tpu.memory_space<vmem>> -> memref<1x16x128xf32, #tpu.memory_space<vmem>>
      %dma_wait3A_634 = tpu.memref_squeeze %dma_wait3A_633 : memref<1x16x128xf32, #tpu.memory_space<vmem>> -> memref<16x128xf32, #tpu.memory_space<vmem>>
      %dma_wait3A_635 = arith.constant 0 : i32
      %dma_wait3A_636 = arith.constant 0 : i32
      %dma_wait3A_637 = tpu.memref_slice %arg3[%dma_wait3A_635, %dma_wait3A_636] : memref<16x1000000xf32, #tpu.memory_space<hbm>> -> memref<16x128xf32, #tpu.memory_space<hbm>>
      %dma_wait3A_638 = arith.constant 0 : i32
      %dma_wait3A_639 = arith.constant 0 : i32
      %dma_wait3A_640 = tpu.memref_slice %arg7[%dma_wait3A_630, %dma_wait3A_638, %dma_wait3A_639] : memref<16x16x128xf32, #tpu.memory_space<vmem>> -> memref<1x16x128xf32, #tpu.memory_space<vmem>>
      %dma_wait3A_641 = tpu.memref_squeeze %dma_wait3A_640 : memref<1x16x128xf32, #tpu.memory_space<vmem>> -> memref<16x128xf32, #tpu.memory_space<vmem>>
      %dma_wait3A_642 = arith.constant 0 : i32
      %dma_wait3A_643 = arith.constant 0 : i32
      %dma_wait3A_644 = tpu.memref_slice %arg3[%dma_wait3A_642, %dma_wait3A_643] : memref<16x1000000xf32, #tpu.memory_space<hbm>> -> memref<16x128xf32, #tpu.memory_space<hbm>>
      tpu.wait_dma2 semaphore(%arg9 : memref<!tpu.dma_semaphore, #tpu.memory_space<semaphore_mem>>) src(%dma_wait3A_644 : memref<16x128xf32, #tpu.memory_space<hbm>>) dst(%dma_wait3A_641 : memref<16x128xf32, #tpu.memory_space<vmem>>)
      %dma_wait3A_645 = arith.constant 3 : i32
      %dma_wait3A_646 = arith.constant 0 : i32
      %dma_wait3A_647 = arith.constant 0 : i32
      %dma_wait3A_648 = tpu.memref_slice %arg7[%dma_wait3A_645, %dma_wait3A_646, %dma_wait3A_647] : memref<16x16x128xf32, #tpu.memory_space<vmem>> -> memref<1x16x128xf32, #tpu.memory_space<vmem>>
      %dma_wait3A_649 = tpu.memref_squeeze %dma_wait3A_648 : memref<1x16x128xf32, #tpu.memory_space<vmem>> -> memref<16x128xf32, #tpu.memory_space<vmem>>
      %dma_wait3A_650 = arith.constant 0 : i32
      %dma_wait3A_651 = arith.constant 0 : i32
      %dma_wait3A_652 = tpu.memref_slice %arg3[%dma_wait3A_650, %dma_wait3A_651] : memref<16x1000000xf32, #tpu.memory_space<hbm>> -> memref<16x128xf32, #tpu.memory_space<hbm>>
      %dma_wait3A_653 = arith.constant 0 : i32
      %dma_wait3A_654 = arith.constant 0 : i32
      %dma_wait3A_655 = tpu.memref_slice %arg7[%dma_wait3A_645, %dma_wait3A_653, %dma_wait3A_654] : memref<16x16x128xf32, #tpu.memory_space<vmem>> -> memref<1x16x128xf32, #tpu.memory_space<vmem>>
      %dma_wait3A_656 = tpu.memref_squeeze %dma_wait3A_655 : memref<1x16x128xf32, #tpu.memory_space<vmem>> -> memref<16x128xf32, #tpu.memory_space<vmem>>
      %dma_wait3A_657 = arith.constant 0 : i32
      %dma_wait3A_658 = arith.constant 0 : i32
      %dma_wait3A_659 = tpu.memref_slice %arg3[%dma_wait3A_657, %dma_wait3A_658] : memref<16x1000000xf32, #tpu.memory_space<hbm>> -> memref<16x128xf32, #tpu.memory_space<hbm>>
      tpu.wait_dma2 semaphore(%arg9 : memref<!tpu.dma_semaphore, #tpu.memory_space<semaphore_mem>>) src(%dma_wait3A_659 : memref<16x128xf32, #tpu.memory_space<hbm>>) dst(%dma_wait3A_656 : memref<16x128xf32, #tpu.memory_space<vmem>>)
      %dma_wait3A_660 = arith.constant 4 : i32
      %dma_wait3A_661 = arith.constant 0 : i32
      %dma_wait3A_662 = arith.constant 0 : i32
      %dma_wait3A_663 = tpu.memref_slice %arg7[%dma_wait3A_660, %dma_wait3A_661, %dma_wait3A_662] : memref<16x16x128xf32, #tpu.memory_space<vmem>> -> memref<1x16x128xf32, #tpu.memory_space<vmem>>
      %dma_wait3A_664 = tpu.memref_squeeze %dma_wait3A_663 : memref<1x16x128xf32, #tpu.memory_space<vmem>> -> memref<16x128xf32, #tpu.memory_space<vmem>>
      %dma_wait3A_665 = arith.constant 0 : i32
      %dma_wait3A_666 = arith.constant 0 : i32
      %dma_wait3A_667 = tpu.memref_slice %arg3[%dma_wait3A_665, %dma_wait3A_666] : memref<16x1000000xf32, #tpu.memory_space<hbm>> -> memref<16x128xf32, #tpu.memory_space<hbm>>
      %dma_wait3A_668 = arith.constant 0 : i32
      %dma_wait3A_669 = arith.constant 0 : i32
      %dma_wait3A_670 = tpu.memref_slice %arg7[%dma_wait3A_660, %dma_wait3A_668, %dma_wait3A_669] : memref<16x16x128xf32, #tpu.memory_space<vmem>> -> memref<1x16x128xf32, #tpu.memory_space<vmem>>
      %dma_wait3A_671 = tpu.memref_squeeze %dma_wait3A_670 : memref<1x16x128xf32, #tpu.memory_space<vmem>> -> memref<16x128xf32, #tpu.memory_space<vmem>>
      %dma_wait3A_672 = arith.constant 0 : i32
      %dma_wait3A_673 = arith.constant 0 : i32
      %dma_wait3A_674 = tpu.memref_slice %arg3[%dma_wait3A_672, %dma_wait3A_673] : memref<16x1000000xf32, #tpu.memory_space<hbm>> -> memref<16x128xf32, #tpu.memory_space<hbm>>
      tpu.wait_dma2 semaphore(%arg9 : memref<!tpu.dma_semaphore, #tpu.memory_space<semaphore_mem>>) src(%dma_wait3A_674 : memref<16x128xf32, #tpu.memory_space<hbm>>) dst(%dma_wait3A_671 : memref<16x128xf32, #tpu.memory_space<vmem>>)
      %dma_wait3A_675 = arith.constant 5 : i32
      %dma_wait3A_676 = arith.constant 0 : i32
      %dma_wait3A_677 = arith.constant 0 : i32
      %dma_wait3A_678 = tpu.memref_slice %arg7[%dma_wait3A_675, %dma_wait3A_676, %dma_wait3A_677] : memref<16x16x128xf32, #tpu.memory_space<vmem>> -> memref<1x16x128xf32, #tpu.memory_space<vmem>>
      %dma_wait3A_679 = tpu.memref_squeeze %dma_wait3A_678 : memref<1x16x128xf32, #tpu.memory_space<vmem>> -> memref<16x128xf32, #tpu.memory_space<vmem>>
      %dma_wait3A_680 = arith.constant 0 : i32
      %dma_wait3A_681 = arith.constant 0 : i32
      %dma_wait3A_682 = tpu.memref_slice %arg3[%dma_wait3A_680, %dma_wait3A_681] : memref<16x1000000xf32, #tpu.memory_space<hbm>> -> memref<16x128xf32, #tpu.memory_space<hbm>>
      %dma_wait3A_683 = arith.constant 0 : i32
      %dma_wait3A_684 = arith.constant 0 : i32
      %dma_wait3A_685 = tpu.memref_slice %arg7[%dma_wait3A_675, %dma_wait3A_683, %dma_wait3A_684] : memref<16x16x128xf32, #tpu.memory_space<vmem>> -> memref<1x16x128xf32, #tpu.memory_space<vmem>>
      %dma_wait3A_686 = tpu.memref_squeeze %dma_wait3A_685 : memref<1x16x128xf32, #tpu.memory_space<vmem>> -> memref<16x128xf32, #tpu.memory_space<vmem>>
      %dma_wait3A_687 = arith.constant 0 : i32
      %dma_wait3A_688 = arith.constant 0 : i32
      %dma_wait3A_689 = tpu.memref_slice %arg3[%dma_wait3A_687, %dma_wait3A_688] : memref<16x1000000xf32, #tpu.memory_space<hbm>> -> memref<16x128xf32, #tpu.memory_space<hbm>>
      tpu.wait_dma2 semaphore(%arg9 : memref<!tpu.dma_semaphore, #tpu.memory_space<semaphore_mem>>) src(%dma_wait3A_689 : memref<16x128xf32, #tpu.memory_space<hbm>>) dst(%dma_wait3A_686 : memref<16x128xf32, #tpu.memory_space<vmem>>)
      %dma_wait3A_690 = arith.constant 6 : i32
      %dma_wait3A_691 = arith.constant 0 : i32
      %dma_wait3A_692 = arith.constant 0 : i32
      %dma_wait3A_693 = tpu.memref_slice %arg7[%dma_wait3A_690, %dma_wait3A_691, %dma_wait3A_692] : memref<16x16x128xf32, #tpu.memory_space<vmem>> -> memref<1x16x128xf32, #tpu.memory_space<vmem>>
      %dma_wait3A_694 = tpu.memref_squeeze %dma_wait3A_693 : memref<1x16x128xf32, #tpu.memory_space<vmem>> -> memref<16x128xf32, #tpu.memory_space<vmem>>
      %dma_wait3A_695 = arith.constant 0 : i32
      %dma_wait3A_696 = arith.constant 0 : i32
      %dma_wait3A_697 = tpu.memref_slice %arg3[%dma_wait3A_695, %dma_wait3A_696] : memref<16x1000000xf32, #tpu.memory_space<hbm>> -> memref<16x128xf32, #tpu.memory_space<hbm>>
      %dma_wait3A_698 = arith.constant 0 : i32
      %dma_wait3A_699 = arith.constant 0 : i32
      %dma_wait3A_700 = tpu.memref_slice %arg7[%dma_wait3A_690, %dma_wait3A_698, %dma_wait3A_699] : memref<16x16x128xf32, #tpu.memory_space<vmem>> -> memref<1x16x128xf32, #tpu.memory_space<vmem>>
      %dma_wait3A_701 = tpu.memref_squeeze %dma_wait3A_700 : memref<1x16x128xf32, #tpu.memory_space<vmem>> -> memref<16x128xf32, #tpu.memory_space<vmem>>
      %dma_wait3A_702 = arith.constant 0 : i32
      %dma_wait3A_703 = arith.constant 0 : i32
      %dma_wait3A_704 = tpu.memref_slice %arg3[%dma_wait3A_702, %dma_wait3A_703] : memref<16x1000000xf32, #tpu.memory_space<hbm>> -> memref<16x128xf32, #tpu.memory_space<hbm>>
      tpu.wait_dma2 semaphore(%arg9 : memref<!tpu.dma_semaphore, #tpu.memory_space<semaphore_mem>>) src(%dma_wait3A_704 : memref<16x128xf32, #tpu.memory_space<hbm>>) dst(%dma_wait3A_701 : memref<16x128xf32, #tpu.memory_space<vmem>>)
      %dma_wait3A_705 = arith.constant 7 : i32
      %dma_wait3A_706 = arith.constant 0 : i32
      %dma_wait3A_707 = arith.constant 0 : i32
      %dma_wait3A_708 = tpu.memref_slice %arg7[%dma_wait3A_705, %dma_wait3A_706, %dma_wait3A_707] : memref<16x16x128xf32, #tpu.memory_space<vmem>> -> memref<1x16x128xf32, #tpu.memory_space<vmem>>
      %dma_wait3A_709 = tpu.memref_squeeze %dma_wait3A_708 : memref<1x16x128xf32, #tpu.memory_space<vmem>> -> memref<16x128xf32, #tpu.memory_space<vmem>>
      %dma_wait3A_710 = arith.constant 0 : i32
      %dma_wait3A_711 = arith.constant 0 : i32
      %dma_wait3A_712 = tpu.memref_slice %arg3[%dma_wait3A_710, %dma_wait3A_711] : memref<16x1000000xf32, #tpu.memory_space<hbm>> -> memref<16x128xf32, #tpu.memory_space<hbm>>
      %dma_wait3A_713 = arith.constant 0 : i32
      %dma_wait3A_714 = arith.constant 0 : i32
      %dma_wait3A_715 = tpu.memref_slice %arg7[%dma_wait3A_705, %dma_wait3A_713, %dma_wait3A_714] : memref<16x16x128xf32, #tpu.memory_space<vmem>> -> memref<1x16x128xf32, #tpu.memory_space<vmem>>
      %dma_wait3A_716 = tpu.memref_squeeze %dma_wait3A_715 : memref<1x16x128xf32, #tpu.memory_space<vmem>> -> memref<16x128xf32, #tpu.memory_space<vmem>>
      %dma_wait3A_717 = arith.constant 0 : i32
      %dma_wait3A_718 = arith.constant 0 : i32
      %dma_wait3A_719 = tpu.memref_slice %arg3[%dma_wait3A_717, %dma_wait3A_718] : memref<16x1000000xf32, #tpu.memory_space<hbm>> -> memref<16x128xf32, #tpu.memory_space<hbm>>
      tpu.wait_dma2 semaphore(%arg9 : memref<!tpu.dma_semaphore, #tpu.memory_space<semaphore_mem>>) src(%dma_wait3A_719 : memref<16x128xf32, #tpu.memory_space<hbm>>) dst(%dma_wait3A_716 : memref<16x128xf32, #tpu.memory_space<vmem>>)
      %dma_wait3A_720 = arith.constant 8 : i32
      %dma_wait3A_721 = arith.constant 0 : i32
      %dma_wait3A_722 = arith.constant 0 : i32
      %dma_wait3A_723 = tpu.memref_slice %arg7[%dma_wait3A_720, %dma_wait3A_721, %dma_wait3A_722] : memref<16x16x128xf32, #tpu.memory_space<vmem>> -> memref<1x16x128xf32, #tpu.memory_space<vmem>>
      %dma_wait3A_724 = tpu.memref_squeeze %dma_wait3A_723 : memref<1x16x128xf32, #tpu.memory_space<vmem>> -> memref<16x128xf32, #tpu.memory_space<vmem>>
      %dma_wait3A_725 = arith.constant 0 : i32
      %dma_wait3A_726 = arith.constant 0 : i32
      %dma_wait3A_727 = tpu.memref_slice %arg3[%dma_wait3A_725, %dma_wait3A_726] : memref<16x1000000xf32, #tpu.memory_space<hbm>> -> memref<16x128xf32, #tpu.memory_space<hbm>>
      %dma_wait3A_728 = arith.constant 0 : i32
      %dma_wait3A_729 = arith.constant 0 : i32
      %dma_wait3A_730 = tpu.memref_slice %arg7[%dma_wait3A_720, %dma_wait3A_728, %dma_wait3A_729] : memref<16x16x128xf32, #tpu.memory_space<vmem>> -> memref<1x16x128xf32, #tpu.memory_space<vmem>>
      %dma_wait3A_731 = tpu.memref_squeeze %dma_wait3A_730 : memref<1x16x128xf32, #tpu.memory_space<vmem>> -> memref<16x128xf32, #tpu.memory_space<vmem>>
      %dma_wait3A_732 = arith.constant 0 : i32
      %dma_wait3A_733 = arith.constant 0 : i32
      %dma_wait3A_734 = tpu.memref_slice %arg3[%dma_wait3A_732, %dma_wait3A_733] : memref<16x1000000xf32, #tpu.memory_space<hbm>> -> memref<16x128xf32, #tpu.memory_space<hbm>>
      tpu.wait_dma2 semaphore(%arg9 : memref<!tpu.dma_semaphore, #tpu.memory_space<semaphore_mem>>) src(%dma_wait3A_734 : memref<16x128xf32, #tpu.memory_space<hbm>>) dst(%dma_wait3A_731 : memref<16x128xf32, #tpu.memory_space<vmem>>)
      %dma_wait3A_735 = arith.constant 9 : i32
      %dma_wait3A_736 = arith.constant 0 : i32
      %dma_wait3A_737 = arith.constant 0 : i32
      %dma_wait3A_738 = tpu.memref_slice %arg7[%dma_wait3A_735, %dma_wait3A_736, %dma_wait3A_737] : memref<16x16x128xf32, #tpu.memory_space<vmem>> -> memref<1x16x128xf32, #tpu.memory_space<vmem>>
      %dma_wait3A_739 = tpu.memref_squeeze %dma_wait3A_738 : memref<1x16x128xf32, #tpu.memory_space<vmem>> -> memref<16x128xf32, #tpu.memory_space<vmem>>
      %dma_wait3A_740 = arith.constant 0 : i32
      %dma_wait3A_741 = arith.constant 0 : i32
      %dma_wait3A_742 = tpu.memref_slice %arg3[%dma_wait3A_740, %dma_wait3A_741] : memref<16x1000000xf32, #tpu.memory_space<hbm>> -> memref<16x128xf32, #tpu.memory_space<hbm>>
      %dma_wait3A_743 = arith.constant 0 : i32
      %dma_wait3A_744 = arith.constant 0 : i32
      %dma_wait3A_745 = tpu.memref_slice %arg7[%dma_wait3A_735, %dma_wait3A_743, %dma_wait3A_744] : memref<16x16x128xf32, #tpu.memory_space<vmem>> -> memref<1x16x128xf32, #tpu.memory_space<vmem>>
      %dma_wait3A_746 = tpu.memref_squeeze %dma_wait3A_745 : memref<1x16x128xf32, #tpu.memory_space<vmem>> -> memref<16x128xf32, #tpu.memory_space<vmem>>
      %dma_wait3A_747 = arith.constant 0 : i32
      %dma_wait3A_748 = arith.constant 0 : i32
      %dma_wait3A_749 = tpu.memref_slice %arg3[%dma_wait3A_747, %dma_wait3A_748] : memref<16x1000000xf32, #tpu.memory_space<hbm>> -> memref<16x128xf32, #tpu.memory_space<hbm>>
      tpu.wait_dma2 semaphore(%arg9 : memref<!tpu.dma_semaphore, #tpu.memory_space<semaphore_mem>>) src(%dma_wait3A_749 : memref<16x128xf32, #tpu.memory_space<hbm>>) dst(%dma_wait3A_746 : memref<16x128xf32, #tpu.memory_space<vmem>>)
      %dma_wait3A_750 = arith.constant 10 : i32
      %dma_wait3A_751 = arith.constant 0 : i32
      %dma_wait3A_752 = arith.constant 0 : i32
      %dma_wait3A_753 = tpu.memref_slice %arg7[%dma_wait3A_750, %dma_wait3A_751, %dma_wait3A_752] : memref<16x16x128xf32, #tpu.memory_space<vmem>> -> memref<1x16x128xf32, #tpu.memory_space<vmem>>
      %dma_wait3A_754 = tpu.memref_squeeze %dma_wait3A_753 : memref<1x16x128xf32, #tpu.memory_space<vmem>> -> memref<16x128xf32, #tpu.memory_space<vmem>>
      %dma_wait3A_755 = arith.constant 0 : i32
      %dma_wait3A_756 = arith.constant 0 : i32
      %dma_wait3A_757 = tpu.memref_slice %arg3[%dma_wait3A_755, %dma_wait3A_756] : memref<16x1000000xf32, #tpu.memory_space<hbm>> -> memref<16x128xf32, #tpu.memory_space<hbm>>
      %dma_wait3A_758 = arith.constant 0 : i32
      %dma_wait3A_759 = arith.constant 0 : i32
      %dma_wait3A_760 = tpu.memref_slice %arg7[%dma_wait3A_750, %dma_wait3A_758, %dma_wait3A_759] : memref<16x16x128xf32, #tpu.memory_space<vmem>> -> memref<1x16x128xf32, #tpu.memory_space<vmem>>
      %dma_wait3A_761 = tpu.memref_squeeze %dma_wait3A_760 : memref<1x16x128xf32, #tpu.memory_space<vmem>> -> memref<16x128xf32, #tpu.memory_space<vmem>>
      %dma_wait3A_762 = arith.constant 0 : i32
      %dma_wait3A_763 = arith.constant 0 : i32
      %dma_wait3A_764 = tpu.memref_slice %arg3[%dma_wait3A_762, %dma_wait3A_763] : memref<16x1000000xf32, #tpu.memory_space<hbm>> -> memref<16x128xf32, #tpu.memory_space<hbm>>
      tpu.wait_dma2 semaphore(%arg9 : memref<!tpu.dma_semaphore, #tpu.memory_space<semaphore_mem>>) src(%dma_wait3A_764 : memref<16x128xf32, #tpu.memory_space<hbm>>) dst(%dma_wait3A_761 : memref<16x128xf32, #tpu.memory_space<vmem>>)
      %dma_wait3A_765 = arith.constant 11 : i32
      %dma_wait3A_766 = arith.constant 0 : i32
      %dma_wait3A_767 = arith.constant 0 : i32
      %dma_wait3A_768 = tpu.memref_slice %arg7[%dma_wait3A_765, %dma_wait3A_766, %dma_wait3A_767] : memref<16x16x128xf32, #tpu.memory_space<vmem>> -> memref<1x16x128xf32, #tpu.memory_space<vmem>>
      %dma_wait3A_769 = tpu.memref_squeeze %dma_wait3A_768 : memref<1x16x128xf32, #tpu.memory_space<vmem>> -> memref<16x128xf32, #tpu.memory_space<vmem>>
      %dma_wait3A_770 = arith.constant 0 : i32
      %dma_wait3A_771 = arith.constant 0 : i32
      %dma_wait3A_772 = tpu.memref_slice %arg3[%dma_wait3A_770, %dma_wait3A_771] : memref<16x1000000xf32, #tpu.memory_space<hbm>> -> memref<16x128xf32, #tpu.memory_space<hbm>>
      %dma_wait3A_773 = arith.constant 0 : i32
      %dma_wait3A_774 = arith.constant 0 : i32
      %dma_wait3A_775 = tpu.memref_slice %arg7[%dma_wait3A_765, %dma_wait3A_773, %dma_wait3A_774] : memref<16x16x128xf32, #tpu.memory_space<vmem>> -> memref<1x16x128xf32, #tpu.memory_space<vmem>>
      %dma_wait3A_776 = tpu.memref_squeeze %dma_wait3A_775 : memref<1x16x128xf32, #tpu.memory_space<vmem>> -> memref<16x128xf32, #tpu.memory_space<vmem>>
      %dma_wait3A_777 = arith.constant 0 : i32
      %dma_wait3A_778 = arith.constant 0 : i32
      %dma_wait3A_779 = tpu.memref_slice %arg3[%dma_wait3A_777, %dma_wait3A_778] : memref<16x1000000xf32, #tpu.memory_space<hbm>> -> memref<16x128xf32, #tpu.memory_space<hbm>>
      tpu.wait_dma2 semaphore(%arg9 : memref<!tpu.dma_semaphore, #tpu.memory_space<semaphore_mem>>) src(%dma_wait3A_779 : memref<16x128xf32, #tpu.memory_space<hbm>>) dst(%dma_wait3A_776 : memref<16x128xf32, #tpu.memory_space<vmem>>)
      %dma_wait3A_780 = arith.constant 12 : i32
      %dma_wait3A_781 = arith.constant 0 : i32
      %dma_wait3A_782 = arith.constant 0 : i32
      %dma_wait3A_783 = tpu.memref_slice %arg7[%dma_wait3A_780, %dma_wait3A_781, %dma_wait3A_782] : memref<16x16x128xf32, #tpu.memory_space<vmem>> -> memref<1x16x128xf32, #tpu.memory_space<vmem>>
      %dma_wait3A_784 = tpu.memref_squeeze %dma_wait3A_783 : memref<1x16x128xf32, #tpu.memory_space<vmem>> -> memref<16x128xf32, #tpu.memory_space<vmem>>
      %dma_wait3A_785 = arith.constant 0 : i32
      %dma_wait3A_786 = arith.constant 0 : i32
      %dma_wait3A_787 = tpu.memref_slice %arg3[%dma_wait3A_785, %dma_wait3A_786] : memref<16x1000000xf32, #tpu.memory_space<hbm>> -> memref<16x128xf32, #tpu.memory_space<hbm>>
      %dma_wait3A_788 = arith.constant 0 : i32
      %dma_wait3A_789 = arith.constant 0 : i32
      %dma_wait3A_790 = tpu.memref_slice %arg7[%dma_wait3A_780, %dma_wait3A_788, %dma_wait3A_789] : memref<16x16x128xf32, #tpu.memory_space<vmem>> -> memref<1x16x128xf32, #tpu.memory_space<vmem>>
      %dma_wait3A_791 = tpu.memref_squeeze %dma_wait3A_790 : memref<1x16x128xf32, #tpu.memory_space<vmem>> -> memref<16x128xf32, #tpu.memory_space<vmem>>
      %dma_wait3A_792 = arith.constant 0 : i32
      %dma_wait3A_793 = arith.constant 0 : i32
      %dma_wait3A_794 = tpu.memref_slice %arg3[%dma_wait3A_792, %dma_wait3A_793] : memref<16x1000000xf32, #tpu.memory_space<hbm>> -> memref<16x128xf32, #tpu.memory_space<hbm>>
      tpu.wait_dma2 semaphore(%arg9 : memref<!tpu.dma_semaphore, #tpu.memory_space<semaphore_mem>>) src(%dma_wait3A_794 : memref<16x128xf32, #tpu.memory_space<hbm>>) dst(%dma_wait3A_791 : memref<16x128xf32, #tpu.memory_space<vmem>>)
      %dma_wait3A_795 = arith.constant 13 : i32
      %dma_wait3A_796 = arith.constant 0 : i32
      %dma_wait3A_797 = arith.constant 0 : i32
      %dma_wait3A_798 = tpu.memref_slice %arg7[%dma_wait3A_795, %dma_wait3A_796, %dma_wait3A_797] : memref<16x16x128xf32, #tpu.memory_space<vmem>> -> memref<1x16x128xf32, #tpu.memory_space<vmem>>
      %dma_wait3A_799 = tpu.memref_squeeze %dma_wait3A_798 : memref<1x16x128xf32, #tpu.memory_space<vmem>> -> memref<16x128xf32, #tpu.memory_space<vmem>>
      %dma_wait3A_800 = arith.constant 0 : i32
      %dma_wait3A_801 = arith.constant 0 : i32
      %dma_wait3A_802 = tpu.memref_slice %arg3[%dma_wait3A_800, %dma_wait3A_801] : memref<16x1000000xf32, #tpu.memory_space<hbm>> -> memref<16x128xf32, #tpu.memory_space<hbm>>
      %dma_wait3A_803 = arith.constant 0 : i32
      %dma_wait3A_804 = arith.constant 0 : i32
      %dma_wait3A_805 = tpu.memref_slice %arg7[%dma_wait3A_795, %dma_wait3A_803, %dma_wait3A_804] : memref<16x16x128xf32, #tpu.memory_space<vmem>> -> memref<1x16x128xf32, #tpu.memory_space<vmem>>
      %dma_wait3A_806 = tpu.memref_squeeze %dma_wait3A_805 : memref<1x16x128xf32, #tpu.memory_space<vmem>> -> memref<16x128xf32, #tpu.memory_space<vmem>>
      %dma_wait3A_807 = arith.constant 0 : i32
      %dma_wait3A_808 = arith.constant 0 : i32
      %dma_wait3A_809 = tpu.memref_slice %arg3[%dma_wait3A_807, %dma_wait3A_808] : memref<16x1000000xf32, #tpu.memory_space<hbm>> -> memref<16x128xf32, #tpu.memory_space<hbm>>
      tpu.wait_dma2 semaphore(%arg9 : memref<!tpu.dma_semaphore, #tpu.memory_space<semaphore_mem>>) src(%dma_wait3A_809 : memref<16x128xf32, #tpu.memory_space<hbm>>) dst(%dma_wait3A_806 : memref<16x128xf32, #tpu.memory_space<vmem>>)
      %dma_wait3A_810 = arith.constant 14 : i32
      %dma_wait3A_811 = arith.constant 0 : i32
      %dma_wait3A_812 = arith.constant 0 : i32
      %dma_wait3A_813 = tpu.memref_slice %arg7[%dma_wait3A_810, %dma_wait3A_811, %dma_wait3A_812] : memref<16x16x128xf32, #tpu.memory_space<vmem>> -> memref<1x16x128xf32, #tpu.memory_space<vmem>>
      %dma_wait3A_814 = tpu.memref_squeeze %dma_wait3A_813 : memref<1x16x128xf32, #tpu.memory_space<vmem>> -> memref<16x128xf32, #tpu.memory_space<vmem>>
      %dma_wait3A_815 = arith.constant 0 : i32
      %dma_wait3A_816 = arith.constant 0 : i32
      %dma_wait3A_817 = tpu.memref_slice %arg3[%dma_wait3A_815, %dma_wait3A_816] : memref<16x1000000xf32, #tpu.memory_space<hbm>> -> memref<16x128xf32, #tpu.memory_space<hbm>>
      %dma_wait3A_818 = arith.constant 0 : i32
      %dma_wait3A_819 = arith.constant 0 : i32
      %dma_wait3A_820 = tpu.memref_slice %arg7[%dma_wait3A_810, %dma_wait3A_818, %dma_wait3A_819] : memref<16x16x128xf32, #tpu.memory_space<vmem>> -> memref<1x16x128xf32, #tpu.memory_space<vmem>>
      %dma_wait3A_821 = tpu.memref_squeeze %dma_wait3A_820 : memref<1x16x128xf32, #tpu.memory_space<vmem>> -> memref<16x128xf32, #tpu.memory_space<vmem>>
      %dma_wait3A_822 = arith.constant 0 : i32
      %dma_wait3A_823 = arith.constant 0 : i32
      %dma_wait3A_824 = tpu.memref_slice %arg3[%dma_wait3A_822, %dma_wait3A_823] : memref<16x1000000xf32, #tpu.memory_space<hbm>> -> memref<16x128xf32, #tpu.memory_space<hbm>>
      tpu.wait_dma2 semaphore(%arg9 : memref<!tpu.dma_semaphore, #tpu.memory_space<semaphore_mem>>) src(%dma_wait3A_824 : memref<16x128xf32, #tpu.memory_space<hbm>>) dst(%dma_wait3A_821 : memref<16x128xf32, #tpu.memory_space<vmem>>)
      %dma_wait3A_825 = arith.constant 15 : i32
      %dma_wait3A_826 = arith.constant 0 : i32
      %dma_wait3A_827 = arith.constant 0 : i32
      %dma_wait3A_828 = tpu.memref_slice %arg7[%dma_wait3A_825, %dma_wait3A_826, %dma_wait3A_827] : memref<16x16x128xf32, #tpu.memory_space<vmem>> -> memref<1x16x128xf32, #tpu.memory_space<vmem>>
      %dma_wait3A_829 = tpu.memref_squeeze %dma_wait3A_828 : memref<1x16x128xf32, #tpu.memory_space<vmem>> -> memref<16x128xf32, #tpu.memory_space<vmem>>
      %dma_wait3A_830 = arith.constant 0 : i32
      %dma_wait3A_831 = arith.constant 0 : i32
      %dma_wait3A_832 = tpu.memref_slice %arg3[%dma_wait3A_830, %dma_wait3A_831] : memref<16x1000000xf32, #tpu.memory_space<hbm>> -> memref<16x128xf32, #tpu.memory_space<hbm>>
      %dma_wait3A_833 = arith.constant 0 : i32
      %dma_wait3A_834 = arith.constant 0 : i32
      %dma_wait3A_835 = tpu.memref_slice %arg7[%dma_wait3A_825, %dma_wait3A_833, %dma_wait3A_834] : memref<16x16x128xf32, #tpu.memory_space<vmem>> -> memref<1x16x128xf32, #tpu.memory_space<vmem>>
      %dma_wait3A_836 = tpu.memref_squeeze %dma_wait3A_835 : memref<1x16x128xf32, #tpu.memory_space<vmem>> -> memref<16x128xf32, #tpu.memory_space<vmem>>
      %dma_wait3A_837 = arith.constant 0 : i32
      %dma_wait3A_838 = arith.constant 0 : i32
      %dma_wait3A_839 = tpu.memref_slice %arg3[%dma_wait3A_837, %dma_wait3A_838] : memref<16x1000000xf32, #tpu.memory_space<hbm>> -> memref<16x128xf32, #tpu.memory_space<hbm>>
      tpu.wait_dma2 semaphore(%arg9 : memref<!tpu.dma_semaphore, #tpu.memory_space<semaphore_mem>>) src(%dma_wait3A_839 : memref<16x128xf32, #tpu.memory_space<hbm>>) dst(%dma_wait3A_836 : memref<16x128xf32, #tpu.memory_space<vmem>>)
      %slice3A_840 = vector.extract_strided_slice %get3A_298 {offsets = [0], sizes = [1], strides = [1]} : vector<16xi32> to vector<1xi32>
      %squeeze3A_841 = vector.extract %slice3A_840[0] : i32 from vector<1xi32>
      %and3A = arith.constant 127 : i32
      %and3A_842 = arith.andi %squeeze3A_841, %and3A : i32
      %broadcast_in_dim3A = vector.broadcast %and3A_842 : i32 to vector<16xi32>
      %gather3A = arith.constant 0 : i32
      %gather3A_843 = arith.constant 0 : i32
      %gather3A_844 = arith.constant 0 : i32
      %gather3A_845 = tpu.memref_slice %arg7[%gather3A, %gather3A_843, %gather3A_844] : memref<16x16x128xf32, #tpu.memory_space<vmem>> -> memref<1x16x128xf32, #tpu.memory_space<vmem>>
      %gather3A_846 = tpu.memref_squeeze %gather3A_845 : memref<1x16x128xf32, #tpu.memory_space<vmem>> -> memref<16x128xf32, #tpu.memory_space<vmem>>
      %gather3A_847 = tpu.vector_load_idx %gather3A_846[%iota3A, %broadcast_in_dim3A] : memref<16x128xf32, #tpu.memory_space<vmem>>[vector<16xi32>, vector<16xi32>], vector<16xf32>,
      %mul3A_848 = arith.constant 16 : i32
      %mul3A_849 = arith.muli %scan3A_295, %mul3A_848 : i32
      %add3A_850 = arith.constant 0 : i32
      %add3A_851 = arith.addi %mul3A_849, %add3A_850 : i32
      %add3A_852 = vector.broadcast %add3A_851 : i32 to vector<16xi32>
      %add3A_853 = arith.addi %mul3A_28, %add3A_852 : vector<16xi32>
      tpu.vector_store_idx %arg8[%add3A_853], %gather3A_847 : memref<8704xf32, #tpu.memory_space<vmem>>[vector<16xi32>], vector<16xf32>,
      %slice3A_854 = vector.extract_strided_slice %get3A_298 {offsets = [1], sizes = [1], strides = [1]} : vector<16xi32> to vector<1xi32>
      %squeeze3A_855 = vector.extract %slice3A_854[0] : i32 from vector<1xi32>
      %and3A_856 = arith.constant 127 : i32
      %and3A_857 = arith.andi %squeeze3A_855, %and3A_856 : i32
      %broadcast_in_dim3A_858 = vector.broadcast %and3A_857 : i32 to vector<16xi32>
      %gather3A_859 = arith.constant 1 : i32
      %gather3A_860 = arith.constant 0 : i32
      %gather3A_861 = arith.constant 0 : i32
      %gather3A_862 = tpu.memref_slice %arg7[%gather3A_859, %gather3A_860, %gather3A_861] : memref<16x16x128xf32, #tpu.memory_space<vmem>> -> memref<1x16x128xf32, #tpu.memory_space<vmem>>
      %gather3A_863 = tpu.memref_squeeze %gather3A_862 : memref<1x16x128xf32, #tpu.memory_space<vmem>> -> memref<16x128xf32, #tpu.memory_space<vmem>>
      %gather3A_864 = tpu.vector_load_idx %gather3A_863[%iota3A, %broadcast_in_dim3A_858] : memref<16x128xf32, #tpu.memory_space<vmem>>[vector<16xi32>, vector<16xi32>], vector<16xf32>,
      %mul3A_865 = arith.constant 16 : i32
      %mul3A_866 = arith.muli %scan3A_295, %mul3A_865 : i32
      %add3A_867 = arith.constant 1 : i32
      %add3A_868 = arith.addi %mul3A_866, %add3A_867 : i32
      %add3A_869 = vector.broadcast %add3A_868 : i32 to vector<16xi32>
      %add3A_870 = arith.addi %mul3A_28, %add3A_869 : vector<16xi32>
      tpu.vector_store_idx %arg8[%add3A_870], %gather3A_864 : memref<8704xf32, #tpu.memory_space<vmem>>[vector<16xi32>], vector<16xf32>,
      %slice3A_871 = vector.extract_strided_slice %get3A_298 {offsets = [2], sizes = [1], strides = [1]} : vector<16xi32> to vector<1xi32>
      %squeeze3A_872 = vector.extract %slice3A_871[0] : i32 from vector<1xi32>
      %and3A_873 = arith.constant 127 : i32
      %and3A_874 = arith.andi %squeeze3A_872, %and3A_873 : i32
      %broadcast_in_dim3A_875 = vector.broadcast %and3A_874 : i32 to vector<16xi32>
      %gather3A_876 = arith.constant 2 : i32
      %gather3A_877 = arith.constant 0 : i32
      %gather3A_878 = arith.constant 0 : i32
      %gather3A_879 = tpu.memref_slice %arg7[%gather3A_876, %gather3A_877, %gather3A_878] : memref<16x16x128xf32, #tpu.memory_space<vmem>> -> memref<1x16x128xf32, #tpu.memory_space<vmem>>
      %gather3A_880 = tpu.memref_squeeze %gather3A_879 : memref<1x16x128xf32, #tpu.memory_space<vmem>> -> memref<16x128xf32, #tpu.memory_space<vmem>>
      %gather3A_881 = tpu.vector_load_idx %gather3A_880[%iota3A, %broadcast_in_dim3A_875] : memref<16x128xf32, #tpu.memory_space<vmem>>[vector<16xi32>, vector<16xi32>], vector<16xf32>,
      %mul3A_882 = arith.constant 16 : i32
      %mul3A_883 = arith.muli %scan3A_295, %mul3A_882 : i32
      %add3A_884 = arith.constant 2 : i32
      %add3A_885 = arith.addi %mul3A_883, %add3A_884 : i32
      %add3A_886 = vector.broadcast %add3A_885 : i32 to vector<16xi32>
      %add3A_887 = arith.addi %mul3A_28, %add3A_886 : vector<16xi32>
      tpu.vector_store_idx %arg8[%add3A_887], %gather3A_881 : memref<8704xf32, #tpu.memory_space<vmem>>[vector<16xi32>], vector<16xf32>,
      %slice3A_888 = vector.extract_strided_slice %get3A_298 {offsets = [3], sizes = [1], strides = [1]} : vector<16xi32> to vector<1xi32>
      %squeeze3A_889 = vector.extract %slice3A_888[0] : i32 from vector<1xi32>
      %and3A_890 = arith.constant 127 : i32
      %and3A_891 = arith.andi %squeeze3A_889, %and3A_890 : i32
      %broadcast_in_dim3A_892 = vector.broadcast %and3A_891 : i32 to vector<16xi32>
      %gather3A_893 = arith.constant 3 : i32
      %gather3A_894 = arith.constant 0 : i32
      %gather3A_895 = arith.constant 0 : i32
      %gather3A_896 = tpu.memref_slice %arg7[%gather3A_893, %gather3A_894, %gather3A_895] : memref<16x16x128xf32, #tpu.memory_space<vmem>> -> memref<1x16x128xf32, #tpu.memory_space<vmem>>
      %gather3A_897 = tpu.memref_squeeze %gather3A_896 : memref<1x16x128xf32, #tpu.memory_space<vmem>> -> memref<16x128xf32, #tpu.memory_space<vmem>>
      %gather3A_898 = tpu.vector_load_idx %gather3A_897[%iota3A, %broadcast_in_dim3A_892] : memref<16x128xf32, #tpu.memory_space<vmem>>[vector<16xi32>, vector<16xi32>], vector<16xf32>,
      %mul3A_899 = arith.constant 16 : i32
      %mul3A_900 = arith.muli %scan3A_295, %mul3A_899 : i32
      %add3A_901 = arith.constant 3 : i32
      %add3A_902 = arith.addi %mul3A_900, %add3A_901 : i32
      %add3A_903 = vector.broadcast %add3A_902 : i32 to vector<16xi32>
      %add3A_904 = arith.addi %mul3A_28, %add3A_903 : vector<16xi32>
      tpu.vector_store_idx %arg8[%add3A_904], %gather3A_898 : memref<8704xf32, #tpu.memory_space<vmem>>[vector<16xi32>], vector<16xf32>,
      %slice3A_905 = vector.extract_strided_slice %get3A_298 {offsets = [4], sizes = [1], strides = [1]} : vector<16xi32> to vector<1xi32>
      %squeeze3A_906 = vector.extract %slice3A_905[0] : i32 from vector<1xi32>
      %and3A_907 = arith.constant 127 : i32
      %and3A_908 = arith.andi %squeeze3A_906, %and3A_907 : i32
      %broadcast_in_dim3A_909 = vector.broadcast %and3A_908 : i32 to vector<16xi32>
      %gather3A_910 = arith.constant 4 : i32
      %gather3A_911 = arith.constant 0 : i32
      %gather3A_912 = arith.constant 0 : i32
      %gather3A_913 = tpu.memref_slice %arg7[%gather3A_910, %gather3A_911, %gather3A_912] : memref<16x16x128xf32, #tpu.memory_space<vmem>> -> memref<1x16x128xf32, #tpu.memory_space<vmem>>
      %gather3A_914 = tpu.memref_squeeze %gather3A_913 : memref<1x16x128xf32, #tpu.memory_space<vmem>> -> memref<16x128xf32, #tpu.memory_space<vmem>>
      %gather3A_915 = tpu.vector_load_idx %gather3A_914[%iota3A, %broadcast_in_dim3A_909] : memref<16x128xf32, #tpu.memory_space<vmem>>[vector<16xi32>, vector<16xi32>], vector<16xf32>,
      %mul3A_916 = arith.constant 16 : i32
      %mul3A_917 = arith.muli %scan3A_295, %mul3A_916 : i32
      %add3A_918 = arith.constant 4 : i32
      %add3A_919 = arith.addi %mul3A_917, %add3A_918 : i32
      %add3A_920 = vector.broadcast %add3A_919 : i32 to vector<16xi32>
      %add3A_921 = arith.addi %mul3A_28, %add3A_920 : vector<16xi32>
      tpu.vector_store_idx %arg8[%add3A_921], %gather3A_915 : memref<8704xf32, #tpu.memory_space<vmem>>[vector<16xi32>], vector<16xf32>,
      %slice3A_922 = vector.extract_strided_slice %get3A_298 {offsets = [5], sizes = [1], strides = [1]} : vector<16xi32> to vector<1xi32>
      %squeeze3A_923 = vector.extract %slice3A_922[0] : i32 from vector<1xi32>
      %and3A_924 = arith.constant 127 : i32
      %and3A_925 = arith.andi %squeeze3A_923, %and3A_924 : i32
      %broadcast_in_dim3A_926 = vector.broadcast %and3A_925 : i32 to vector<16xi32>
      %gather3A_927 = arith.constant 5 : i32
      %gather3A_928 = arith.constant 0 : i32
      %gather3A_929 = arith.constant 0 : i32
      %gather3A_930 = tpu.memref_slice %arg7[%gather3A_927, %gather3A_928, %gather3A_929] : memref<16x16x128xf32, #tpu.memory_space<vmem>> -> memref<1x16x128xf32, #tpu.memory_space<vmem>>
      %gather3A_931 = tpu.memref_squeeze %gather3A_930 : memref<1x16x128xf32, #tpu.memory_space<vmem>> -> memref<16x128xf32, #tpu.memory_space<vmem>>
      %gather3A_932 = tpu.vector_load_idx %gather3A_931[%iota3A, %broadcast_in_dim3A_926] : memref<16x128xf32, #tpu.memory_space<vmem>>[vector<16xi32>, vector<16xi32>], vector<16xf32>,
      %mul3A_933 = arith.constant 16 : i32
      %mul3A_934 = arith.muli %scan3A_295, %mul3A_933 : i32
      %add3A_935 = arith.constant 5 : i32
      %add3A_936 = arith.addi %mul3A_934, %add3A_935 : i32
      %add3A_937 = vector.broadcast %add3A_936 : i32 to vector<16xi32>
      %add3A_938 = arith.addi %mul3A_28, %add3A_937 : vector<16xi32>
      tpu.vector_store_idx %arg8[%add3A_938], %gather3A_932 : memref<8704xf32, #tpu.memory_space<vmem>>[vector<16xi32>], vector<16xf32>,
      %slice3A_939 = vector.extract_strided_slice %get3A_298 {offsets = [6], sizes = [1], strides = [1]} : vector<16xi32> to vector<1xi32>
      %squeeze3A_940 = vector.extract %slice3A_939[0] : i32 from vector<1xi32>
      %and3A_941 = arith.constant 127 : i32
      %and3A_942 = arith.andi %squeeze3A_940, %and3A_941 : i32
      %broadcast_in_dim3A_943 = vector.broadcast %and3A_942 : i32 to vector<16xi32>
      %gather3A_944 = arith.constant 6 : i32
      %gather3A_945 = arith.constant 0 : i32
      %gather3A_946 = arith.constant 0 : i32
      %gather3A_947 = tpu.memref_slice %arg7[%gather3A_944, %gather3A_945, %gather3A_946] : memref<16x16x128xf32, #tpu.memory_space<vmem>> -> memref<1x16x128xf32, #tpu.memory_space<vmem>>
      %gather3A_948 = tpu.memref_squeeze %gather3A_947 : memref<1x16x128xf32, #tpu.memory_space<vmem>> -> memref<16x128xf32, #tpu.memory_space<vmem>>
      %gather3A_949 = tpu.vector_load_idx %gather3A_948[%iota3A, %broadcast_in_dim3A_943] : memref<16x128xf32, #tpu.memory_space<vmem>>[vector<16xi32>, vector<16xi32>], vector<16xf32>,
      %mul3A_950 = arith.constant 16 : i32
      %mul3A_951 = arith.muli %scan3A_295, %mul3A_950 : i32
      %add3A_952 = arith.constant 6 : i32
      %add3A_953 = arith.addi %mul3A_951, %add3A_952 : i32
      %add3A_954 = vector.broadcast %add3A_953 : i32 to vector<16xi32>
      %add3A_955 = arith.addi %mul3A_28, %add3A_954 : vector<16xi32>
      tpu.vector_store_idx %arg8[%add3A_955], %gather3A_949 : memref<8704xf32, #tpu.memory_space<vmem>>[vector<16xi32>], vector<16xf32>,
      %slice3A_956 = vector.extract_strided_slice %get3A_298 {offsets = [7], sizes = [1], strides = [1]} : vector<16xi32> to vector<1xi32>
      %squeeze3A_957 = vector.extract %slice3A_956[0] : i32 from vector<1xi32>
      %and3A_958 = arith.constant 127 : i32
      %and3A_959 = arith.andi %squeeze3A_957, %and3A_958 : i32
      %broadcast_in_dim3A_960 = vector.broadcast %and3A_959 : i32 to vector<16xi32>
      %gather3A_961 = arith.constant 7 : i32
      %gather3A_962 = arith.constant 0 : i32
      %gather3A_963 = arith.constant 0 : i32
      %gather3A_964 = tpu.memref_slice %arg7[%gather3A_961, %gather3A_962, %gather3A_963] : memref<16x16x128xf32, #tpu.memory_space<vmem>> -> memref<1x16x128xf32, #tpu.memory_space<vmem>>
      %gather3A_965 = tpu.memref_squeeze %gather3A_964 : memref<1x16x128xf32, #tpu.memory_space<vmem>> -> memref<16x128xf32, #tpu.memory_space<vmem>>
      %gather3A_966 = tpu.vector_load_idx %gather3A_965[%iota3A, %broadcast_in_dim3A_960] : memref<16x128xf32, #tpu.memory_space<vmem>>[vector<16xi32>, vector<16xi32>], vector<16xf32>,
      %mul3A_967 = arith.constant 16 : i32
      %mul3A_968 = arith.muli %scan3A_295, %mul3A_967 : i32
      %add3A_969 = arith.constant 7 : i32
      %add3A_970 = arith.addi %mul3A_968, %add3A_969 : i32
      %add3A_971 = vector.broadcast %add3A_970 : i32 to vector<16xi32>
      %add3A_972 = arith.addi %mul3A_28, %add3A_971 : vector<16xi32>
      tpu.vector_store_idx %arg8[%add3A_972], %gather3A_966 : memref<8704xf32, #tpu.memory_space<vmem>>[vector<16xi32>], vector<16xf32>,
      %slice3A_973 = vector.extract_strided_slice %get3A_298 {offsets = [8], sizes = [1], strides = [1]} : vector<16xi32> to vector<1xi32>
      %squeeze3A_974 = vector.extract %slice3A_973[0] : i32 from vector<1xi32>
      %and3A_975 = arith.constant 127 : i32
      %and3A_976 = arith.andi %squeeze3A_974, %and3A_975 : i32
      %broadcast_in_dim3A_977 = vector.broadcast %and3A_976 : i32 to vector<16xi32>
      %gather3A_978 = arith.constant 8 : i32
      %gather3A_979 = arith.constant 0 : i32
      %gather3A_980 = arith.constant 0 : i32
      %gather3A_981 = tpu.memref_slice %arg7[%gather3A_978, %gather3A_979, %gather3A_980] : memref<16x16x128xf32, #tpu.memory_space<vmem>> -> memref<1x16x128xf32, #tpu.memory_space<vmem>>
      %gather3A_982 = tpu.memref_squeeze %gather3A_981 : memref<1x16x128xf32, #tpu.memory_space<vmem>> -> memref<16x128xf32, #tpu.memory_space<vmem>>
      %gather3A_983 = tpu.vector_load_idx %gather3A_982[%iota3A, %broadcast_in_dim3A_977] : memref<16x128xf32, #tpu.memory_space<vmem>>[vector<16xi32>, vector<16xi32>], vector<16xf32>,
      %mul3A_984 = arith.constant 16 : i32
      %mul3A_985 = arith.muli %scan3A_295, %mul3A_984 : i32
      %add3A_986 = arith.constant 8 : i32
      %add3A_987 = arith.addi %mul3A_985, %add3A_986 : i32
      %add3A_988 = vector.broadcast %add3A_987 : i32 to vector<16xi32>
      %add3A_989 = arith.addi %mul3A_28, %add3A_988 : vector<16xi32>
      tpu.vector_store_idx %arg8[%add3A_989], %gather3A_983 : memref<8704xf32, #tpu.memory_space<vmem>>[vector<16xi32>], vector<16xf32>,
      %slice3A_990 = vector.extract_strided_slice %get3A_298 {offsets = [9], sizes = [1], strides = [1]} : vector<16xi32> to vector<1xi32>
      %squeeze3A_991 = vector.extract %slice3A_990[0] : i32 from vector<1xi32>
      %and3A_992 = arith.constant 127 : i32
      %and3A_993 = arith.andi %squeeze3A_991, %and3A_992 : i32
      %broadcast_in_dim3A_994 = vector.broadcast %and3A_993 : i32 to vector<16xi32>
      %gather3A_995 = arith.constant 9 : i32
      %gather3A_996 = arith.constant 0 : i32
      %gather3A_997 = arith.constant 0 : i32
      %gather3A_998 = tpu.memref_slice %arg7[%gather3A_995, %gather3A_996, %gather3A_997] : memref<16x16x128xf32, #tpu.memory_space<vmem>> -> memref<1x16x128xf32, #tpu.memory_space<vmem>>
      %gather3A_999 = tpu.memref_squeeze %gather3A_998 : memref<1x16x128xf32, #tpu.memory_space<vmem>> -> memref<16x128xf32, #tpu.memory_space<vmem>>
      %gather3A_1000 = tpu.vector_load_idx %gather3A_999[%iota3A, %broadcast_in_dim3A_994] : memref<16x128xf32, #tpu.memory_space<vmem>>[vector<16xi32>, vector<16xi32>], vector<16xf32>,
      %mul3A_1001 = arith.constant 16 : i32
      %mul3A_1002 = arith.muli %scan3A_295, %mul3A_1001 : i32
      %add3A_1003 = arith.constant 9 : i32
      %add3A_1004 = arith.addi %mul3A_1002, %add3A_1003 : i32
      %add3A_1005 = vector.broadcast %add3A_1004 : i32 to vector<16xi32>
      %add3A_1006 = arith.addi %mul3A_28, %add3A_1005 : vector<16xi32>
      tpu.vector_store_idx %arg8[%add3A_1006], %gather3A_1000 : memref<8704xf32, #tpu.memory_space<vmem>>[vector<16xi32>], vector<16xf32>,
      %slice3A_1007 = vector.extract_strided_slice %get3A_298 {offsets = [10], sizes = [1], strides = [1]} : vector<16xi32> to vector<1xi32>
      %squeeze3A_1008 = vector.extract %slice3A_1007[0] : i32 from vector<1xi32>
      %and3A_1009 = arith.constant 127 : i32
      %and3A_1010 = arith.andi %squeeze3A_1008, %and3A_1009 : i32
      %broadcast_in_dim3A_1011 = vector.broadcast %and3A_1010 : i32 to vector<16xi32>
      %gather3A_1012 = arith.constant 10 : i32
      %gather3A_1013 = arith.constant 0 : i32
      %gather3A_1014 = arith.constant 0 : i32
      %gather3A_1015 = tpu.memref_slice %arg7[%gather3A_1012, %gather3A_1013, %gather3A_1014] : memref<16x16x128xf32, #tpu.memory_space<vmem>> -> memref<1x16x128xf32, #tpu.memory_space<vmem>>
      %gather3A_1016 = tpu.memref_squeeze %gather3A_1015 : memref<1x16x128xf32, #tpu.memory_space<vmem>> -> memref<16x128xf32, #tpu.memory_space<vmem>>
      %gather3A_1017 = tpu.vector_load_idx %gather3A_1016[%iota3A, %broadcast_in_dim3A_1011] : memref<16x128xf32, #tpu.memory_space<vmem>>[vector<16xi32>, vector<16xi32>], vector<16xf32>,
      %mul3A_1018 = arith.constant 16 : i32
      %mul3A_1019 = arith.muli %scan3A_295, %mul3A_1018 : i32
      %add3A_1020 = arith.constant 10 : i32
      %add3A_1021 = arith.addi %mul3A_1019, %add3A_1020 : i32
      %add3A_1022 = vector.broadcast %add3A_1021 : i32 to vector<16xi32>
      %add3A_1023 = arith.addi %mul3A_28, %add3A_1022 : vector<16xi32>
      tpu.vector_store_idx %arg8[%add3A_1023], %gather3A_1017 : memref<8704xf32, #tpu.memory_space<vmem>>[vector<16xi32>], vector<16xf32>,
      %slice3A_1024 = vector.extract_strided_slice %get3A_298 {offsets = [11], sizes = [1], strides = [1]} : vector<16xi32> to vector<1xi32>
      %squeeze3A_1025 = vector.extract %slice3A_1024[0] : i32 from vector<1xi32>
      %and3A_1026 = arith.constant 127 : i32
      %and3A_1027 = arith.andi %squeeze3A_1025, %and3A_1026 : i32
      %broadcast_in_dim3A_1028 = vector.broadcast %and3A_1027 : i32 to vector<16xi32>
      %gather3A_1029 = arith.constant 11 : i32
      %gather3A_1030 = arith.constant 0 : i32
      %gather3A_1031 = arith.constant 0 : i32
      %gather3A_1032 = tpu.memref_slice %arg7[%gather3A_1029, %gather3A_1030, %gather3A_1031] : memref<16x16x128xf32, #tpu.memory_space<vmem>> -> memref<1x16x128xf32, #tpu.memory_space<vmem>>
      %gather3A_1033 = tpu.memref_squeeze %gather3A_1032 : memref<1x16x128xf32, #tpu.memory_space<vmem>> -> memref<16x128xf32, #tpu.memory_space<vmem>>
      %gather3A_1034 = tpu.vector_load_idx %gather3A_1033[%iota3A, %broadcast_in_dim3A_1028] : memref<16x128xf32, #tpu.memory_space<vmem>>[vector<16xi32>, vector<16xi32>], vector<16xf32>,
      %mul3A_1035 = arith.constant 16 : i32
      %mul3A_1036 = arith.muli %scan3A_295, %mul3A_1035 : i32
      %add3A_1037 = arith.constant 11 : i32
      %add3A_1038 = arith.addi %mul3A_1036, %add3A_1037 : i32
      %add3A_1039 = vector.broadcast %add3A_1038 : i32 to vector<16xi32>
      %add3A_1040 = arith.addi %mul3A_28, %add3A_1039 : vector<16xi32>
      tpu.vector_store_idx %arg8[%add3A_1040], %gather3A_1034 : memref<8704xf32, #tpu.memory_space<vmem>>[vector<16xi32>], vector<16xf32>,
      %slice3A_1041 = vector.extract_strided_slice %get3A_298 {offsets = [12], sizes = [1], strides = [1]} : vector<16xi32> to vector<1xi32>
      %squeeze3A_1042 = vector.extract %slice3A_1041[0] : i32 from vector<1xi32>
      %and3A_1043 = arith.constant 127 : i32
      %and3A_1044 = arith.andi %squeeze3A_1042, %and3A_1043 : i32
      %broadcast_in_dim3A_1045 = vector.broadcast %and3A_1044 : i32 to vector<16xi32>
      %gather3A_1046 = arith.constant 12 : i32
      %gather3A_1047 = arith.constant 0 : i32
      %gather3A_1048 = arith.constant 0 : i32
      %gather3A_1049 = tpu.memref_slice %arg7[%gather3A_1046, %gather3A_1047, %gather3A_1048] : memref<16x16x128xf32, #tpu.memory_space<vmem>> -> memref<1x16x128xf32, #tpu.memory_space<vmem>>
      %gather3A_1050 = tpu.memref_squeeze %gather3A_1049 : memref<1x16x128xf32, #tpu.memory_space<vmem>> -> memref<16x128xf32, #tpu.memory_space<vmem>>
      %gather3A_1051 = tpu.vector_load_idx %gather3A_1050[%iota3A, %broadcast_in_dim3A_1045] : memref<16x128xf32, #tpu.memory_space<vmem>>[vector<16xi32>, vector<16xi32>], vector<16xf32>,
      %mul3A_1052 = arith.constant 16 : i32
      %mul3A_1053 = arith.muli %scan3A_295, %mul3A_1052 : i32
      %add3A_1054 = arith.constant 12 : i32
      %add3A_1055 = arith.addi %mul3A_1053, %add3A_1054 : i32
      %add3A_1056 = vector.broadcast %add3A_1055 : i32 to vector<16xi32>
      %add3A_1057 = arith.addi %mul3A_28, %add3A_1056 : vector<16xi32>
      tpu.vector_store_idx %arg8[%add3A_1057], %gather3A_1051 : memref<8704xf32, #tpu.memory_space<vmem>>[vector<16xi32>], vector<16xf32>,
      %slice3A_1058 = vector.extract_strided_slice %get3A_298 {offsets = [13], sizes = [1], strides = [1]} : vector<16xi32> to vector<1xi32>
      %squeeze3A_1059 = vector.extract %slice3A_1058[0] : i32 from vector<1xi32>
      %and3A_1060 = arith.constant 127 : i32
      %and3A_1061 = arith.andi %squeeze3A_1059, %and3A_1060 : i32
      %broadcast_in_dim3A_1062 = vector.broadcast %and3A_1061 : i32 to vector<16xi32>
      %gather3A_1063 = arith.constant 13 : i32
      %gather3A_1064 = arith.constant 0 : i32
      %gather3A_1065 = arith.constant 0 : i32
      %gather3A_1066 = tpu.memref_slice %arg7[%gather3A_1063, %gather3A_1064, %gather3A_1065] : memref<16x16x128xf32, #tpu.memory_space<vmem>> -> memref<1x16x128xf32, #tpu.memory_space<vmem>>
      %gather3A_1067 = tpu.memref_squeeze %gather3A_1066 : memref<1x16x128xf32, #tpu.memory_space<vmem>> -> memref<16x128xf32, #tpu.memory_space<vmem>>
      %gather3A_1068 = tpu.vector_load_idx %gather3A_1067[%iota3A, %broadcast_in_dim3A_1062] : memref<16x128xf32, #tpu.memory_space<vmem>>[vector<16xi32>, vector<16xi32>], vector<16xf32>,
      %mul3A_1069 = arith.constant 16 : i32
      %mul3A_1070 = arith.muli %scan3A_295, %mul3A_1069 : i32
      %add3A_1071 = arith.constant 13 : i32
      %add3A_1072 = arith.addi %mul3A_1070, %add3A_1071 : i32
      %add3A_1073 = vector.broadcast %add3A_1072 : i32 to vector<16xi32>
      %add3A_1074 = arith.addi %mul3A_28, %add3A_1073 : vector<16xi32>
      tpu.vector_store_idx %arg8[%add3A_1074], %gather3A_1068 : memref<8704xf32, #tpu.memory_space<vmem>>[vector<16xi32>], vector<16xf32>,
      %slice3A_1075 = vector.extract_strided_slice %get3A_298 {offsets = [14], sizes = [1], strides = [1]} : vector<16xi32> to vector<1xi32>
      %squeeze3A_1076 = vector.extract %slice3A_1075[0] : i32 from vector<1xi32>
      %and3A_1077 = arith.constant 127 : i32
      %and3A_1078 = arith.andi %squeeze3A_1076, %and3A_1077 : i32
      %broadcast_in_dim3A_1079 = vector.broadcast %and3A_1078 : i32 to vector<16xi32>
      %gather3A_1080 = arith.constant 14 : i32
      %gather3A_1081 = arith.constant 0 : i32
      %gather3A_1082 = arith.constant 0 : i32
      %gather3A_1083 = tpu.memref_slice %arg7[%gather3A_1080, %gather3A_1081, %gather3A_1082] : memref<16x16x128xf32, #tpu.memory_space<vmem>> -> memref<1x16x128xf32, #tpu.memory_space<vmem>>
      %gather3A_1084 = tpu.memref_squeeze %gather3A_1083 : memref<1x16x128xf32, #tpu.memory_space<vmem>> -> memref<16x128xf32, #tpu.memory_space<vmem>>
      %gather3A_1085 = tpu.vector_load_idx %gather3A_1084[%iota3A, %broadcast_in_dim3A_1079] : memref<16x128xf32, #tpu.memory_space<vmem>>[vector<16xi32>, vector<16xi32>], vector<16xf32>,
      %mul3A_1086 = arith.constant 16 : i32
      %mul3A_1087 = arith.muli %scan3A_295, %mul3A_1086 : i32
      %add3A_1088 = arith.constant 14 : i32
      %add3A_1089 = arith.addi %mul3A_1087, %add3A_1088 : i32
      %add3A_1090 = vector.broadcast %add3A_1089 : i32 to vector<16xi32>
      %add3A_1091 = arith.addi %mul3A_28, %add3A_1090 : vector<16xi32>
      tpu.vector_store_idx %arg8[%add3A_1091], %gather3A_1085 : memref<8704xf32, #tpu.memory_space<vmem>>[vector<16xi32>], vector<16xf32>,
      %slice3A_1092 = vector.extract_strided_slice %get3A_298 {offsets = [15], sizes = [1], strides = [1]} : vector<16xi32> to vector<1xi32>
      %squeeze3A_1093 = vector.extract %slice3A_1092[0] : i32 from vector<1xi32>
      %and3A_1094 = arith.constant 127 : i32
      %and3A_1095 = arith.andi %squeeze3A_1093, %and3A_1094 : i32
      %broadcast_in_dim3A_1096 = vector.broadcast %and3A_1095 : i32 to vector<16xi32>
      %gather3A_1097 = arith.constant 15 : i32
      %gather3A_1098 = arith.constant 0 : i32
      %gather3A_1099 = arith.constant 0 : i32
      %gather3A_1100 = tpu.memref_slice %arg7[%gather3A_1097, %gather3A_1098, %gather3A_1099] : memref<16x16x128xf32, #tpu.memory_space<vmem>> -> memref<1x16x128xf32, #tpu.memory_space<vmem>>
      %gather3A_1101 = tpu.memref_squeeze %gather3A_1100 : memref<1x16x128xf32, #tpu.memory_space<vmem>> -> memref<16x128xf32, #tpu.memory_space<vmem>>
      %gather3A_1102 = tpu.vector_load_idx %gather3A_1101[%iota3A, %broadcast_in_dim3A_1096] : memref<16x128xf32, #tpu.memory_space<vmem>>[vector<16xi32>, vector<16xi32>], vector<16xf32>,
      %mul3A_1103 = arith.constant 16 : i32
      %mul3A_1104 = arith.muli %scan3A_295, %mul3A_1103 : i32
      %add3A_1105 = arith.constant 15 : i32
      %add3A_1106 = arith.addi %mul3A_1104, %add3A_1105 : i32
      %add3A_1107 = vector.broadcast %add3A_1106 : i32 to vector<16xi32>
      %add3A_1108 = arith.addi %mul3A_28, %add3A_1107 : vector<16xi32>
      tpu.vector_store_idx %arg8[%add3A_1108], %gather3A_1102 : memref<8704xf32, #tpu.memory_space<vmem>>[vector<16xi32>], vector<16xf32>,
    }
    %scan3A_33 = arith.constant 32 : i32
    %dma_wait3A = arith.constant 8192 : i32
    %dma_wait3A_34 = tpu.memref_slice %arg8[%dma_wait3A] : memref<8704xf32, #tpu.memory_space<vmem>> -> memref<128xf32, #tpu.memory_space<vmem>>
    %dma_wait3A_35 = arith.constant 0 : i32
    %dma_wait3A_36 = tpu.memref_slice %arg6[%dma_wait3A_35] : memref<512xi32, #tpu.memory_space<vmem>> -> memref<128xi32, #tpu.memory_space<vmem>>
    %dma_wait3A_37 = arith.constant 0 : i32
    %dma_wait3A_38 = tpu.memref_slice %arg4[%dma_wait3A_37] : memref<1000000xf32, #tpu.memory_space<hbm>> -> memref<1000000xf32, #tpu.memory_space<hbm>>
    tpu.wait_indirect_dma semaphore(%arg10 : memref<!tpu.dma_semaphore, #tpu.memory_space<semaphore_mem>>) src(%dma_wait3A_38 : memref<1000000xf32, #tpu.memory_space<hbm>>) dst(%dma_wait3A_34 : memref<128xf32, #tpu.memory_space<vmem>>)
    %dma_wait3A_39 = arith.constant 8320 : i32
    %dma_wait3A_40 = tpu.memref_slice %arg8[%dma_wait3A_39] : memref<8704xf32, #tpu.memory_space<vmem>> -> memref<128xf32, #tpu.memory_space<vmem>>
    %dma_wait3A_41 = arith.constant 128 : i32
    %dma_wait3A_42 = tpu.memref_slice %arg6[%dma_wait3A_41] : memref<512xi32, #tpu.memory_space<vmem>> -> memref<128xi32, #tpu.memory_space<vmem>>
    %dma_wait3A_43 = arith.constant 0 : i32
    %dma_wait3A_44 = tpu.memref_slice %arg4[%dma_wait3A_43] : memref<1000000xf32, #tpu.memory_space<hbm>> -> memref<1000000xf32, #tpu.memory_space<hbm>>
    tpu.wait_indirect_dma semaphore(%arg10 : memref<!tpu.dma_semaphore, #tpu.memory_space<semaphore_mem>>) src(%dma_wait3A_44 : memref<1000000xf32, #tpu.memory_space<hbm>>) dst(%dma_wait3A_40 : memref<128xf32, #tpu.memory_space<vmem>>)
    %dma_wait3A_45 = arith.constant 8448 : i32
    %dma_wait3A_46 = tpu.memref_slice %arg8[%dma_wait3A_45] : memref<8704xf32, #tpu.memory_space<vmem>> -> memref<128xf32, #tpu.memory_space<vmem>>
    %dma_wait3A_47 = arith.constant 256 : i32
    %dma_wait3A_48 = tpu.memref_slice %arg6[%dma_wait3A_47] : memref<512xi32, #tpu.memory_space<vmem>> -> memref<128xi32, #tpu.memory_space<vmem>>
    %dma_wait3A_49 = arith.constant 0 : i32
    %dma_wait3A_50 = tpu.memref_slice %arg4[%dma_wait3A_49] : memref<1000000xf32, #tpu.memory_space<hbm>> -> memref<1000000xf32, #tpu.memory_space<hbm>>
    tpu.wait_indirect_dma semaphore(%arg10 : memref<!tpu.dma_semaphore, #tpu.memory_space<semaphore_mem>>) src(%dma_wait3A_50 : memref<1000000xf32, #tpu.memory_space<hbm>>) dst(%dma_wait3A_46 : memref<128xf32, #tpu.memory_space<vmem>>)
    %dma_wait3A_51 = arith.constant 8576 : i32
    %dma_wait3A_52 = tpu.memref_slice %arg8[%dma_wait3A_51] : memref<8704xf32, #tpu.memory_space<vmem>> -> memref<128xf32, #tpu.memory_space<vmem>>
    %dma_wait3A_53 = arith.constant 384 : i32
    %dma_wait3A_54 = tpu.memref_slice %arg6[%dma_wait3A_53] : memref<512xi32, #tpu.memory_space<vmem>> -> memref<128xi32, #tpu.memory_space<vmem>>
    %dma_wait3A_55 = arith.constant 0 : i32
    %dma_wait3A_56 = tpu.memref_slice %arg4[%dma_wait3A_55] : memref<1000000xf32, #tpu.memory_space<hbm>> -> memref<1000000xf32, #tpu.memory_space<hbm>>
    tpu.wait_indirect_dma semaphore(%arg10 : memref<!tpu.dma_semaphore, #tpu.memory_space<semaphore_mem>>) src(%dma_wait3A_56 : memref<1000000xf32, #tpu.memory_space<hbm>>) dst(%dma_wait3A_52 : memref<128xf32, #tpu.memory_space<vmem>>)
    %add3A_57 = arith.constant 0 : i32
    %add3A_58 = arith.addi %add3A_57, %mul3A_2 : i32
    %dma_start3A_59 = arith.constant 0 : i32
    %dma_start3A_60 = tpu.memref_slice %arg8[%dma_start3A_59] : memref<8704xf32, #tpu.memory_space<vmem>> -> memref<512xf32, #tpu.memory_space<vmem>>
    %dma_start3A_61 = tpu.memref_slice %arg5[%add3A_58] : memref<278528xf32, #tpu.memory_space<hbm>> -> memref<512xf32, #tpu.memory_space<hbm>>
    %dma_start3A_62 = tpu.memref_slice %arg5[%add3A_58] : memref<278528xf32, #tpu.memory_space<hbm>> -> memref<512xf32, #tpu.memory_space<hbm>>
    %dma_start3A_63 = arith.constant 0 : i32
    %dma_start3A_64 = tpu.memref_slice %arg8[%dma_start3A_63] : memref<8704xf32, #tpu.memory_space<vmem>> -> memref<512xf32, #tpu.memory_space<vmem>>
    tpu.enqueue_dma source(%dma_start3A_64 : memref<512xf32, #tpu.memory_space<vmem>>) target(%dma_start3A_62 : memref<512xf32, #tpu.memory_space<hbm>>) target_semaphore(%arg11 : memref<!tpu.dma_semaphore, #tpu.memory_space<semaphore_mem>>)
    %add3A_65 = arith.constant 16384 : i32
    %add3A_66 = arith.addi %add3A_65, %mul3A_2 : i32
    %dma_start3A_67 = arith.constant 512 : i32
    %dma_start3A_68 = tpu.memref_slice %arg8[%dma_start3A_67] : memref<8704xf32, #tpu.memory_space<vmem>> -> memref<512xf32, #tpu.memory_space<vmem>>
    %dma_start3A_69 = tpu.memref_slice %arg5[%add3A_66] : memref<278528xf32, #tpu.memory_space<hbm>> -> memref<512xf32, #tpu.memory_space<hbm>>
    %dma_start3A_70 = tpu.memref_slice %arg5[%add3A_66] : memref<278528xf32, #tpu.memory_space<hbm>> -> memref<512xf32, #tpu.memory_space<hbm>>
    %dma_start3A_71 = arith.constant 512 : i32
    %dma_start3A_72 = tpu.memref_slice %arg8[%dma_start3A_71] : memref<8704xf32, #tpu.memory_space<vmem>> -> memref<512xf32, #tpu.memory_space<vmem>>
    tpu.enqueue_dma source(%dma_start3A_72 : memref<512xf32, #tpu.memory_space<vmem>>) target(%dma_start3A_70 : memref<512xf32, #tpu.memory_space<hbm>>) target_semaphore(%arg11 : memref<!tpu.dma_semaphore, #tpu.memory_space<semaphore_mem>>)
    %add3A_73 = arith.constant 32768 : i32
    %add3A_74 = arith.addi %add3A_73, %mul3A_2 : i32
    %dma_start3A_75 = arith.constant 1024 : i32
    %dma_start3A_76 = tpu.memref_slice %arg8[%dma_start3A_75] : memref<8704xf32, #tpu.memory_space<vmem>> -> memref<512xf32, #tpu.memory_space<vmem>>
    %dma_start3A_77 = tpu.memref_slice %arg5[%add3A_74] : memref<278528xf32, #tpu.memory_space<hbm>> -> memref<512xf32, #tpu.memory_space<hbm>>
    %dma_start3A_78 = tpu.memref_slice %arg5[%add3A_74] : memref<278528xf32, #tpu.memory_space<hbm>> -> memref<512xf32, #tpu.memory_space<hbm>>
    %dma_start3A_79 = arith.constant 1024 : i32
    %dma_start3A_80 = tpu.memref_slice %arg8[%dma_start3A_79] : memref<8704xf32, #tpu.memory_space<vmem>> -> memref<512xf32, #tpu.memory_space<vmem>>
    tpu.enqueue_dma source(%dma_start3A_80 : memref<512xf32, #tpu.memory_space<vmem>>) target(%dma_start3A_78 : memref<512xf32, #tpu.memory_space<hbm>>) target_semaphore(%arg11 : memref<!tpu.dma_semaphore, #tpu.memory_space<semaphore_mem>>)
    %add3A_81 = arith.constant 49152 : i32
    %add3A_82 = arith.addi %add3A_81, %mul3A_2 : i32
    %dma_start3A_83 = arith.constant 1536 : i32
    %dma_start3A_84 = tpu.memref_slice %arg8[%dma_start3A_83] : memref<8704xf32, #tpu.memory_space<vmem>> -> memref<512xf32, #tpu.memory_space<vmem>>
    %dma_start3A_85 = tpu.memref_slice %arg5[%add3A_82] : memref<278528xf32, #tpu.memory_space<hbm>> -> memref<512xf32, #tpu.memory_space<hbm>>
    %dma_start3A_86 = tpu.memref_slice %arg5[%add3A_82] : memref<278528xf32, #tpu.memory_space<hbm>> -> memref<512xf32, #tpu.memory_space<hbm>>
    %dma_start3A_87 = arith.constant 1536 : i32
    %dma_start3A_88 = tpu.memref_slice %arg8[%dma_start3A_87] : memref<8704xf32, #tpu.memory_space<vmem>> -> memref<512xf32, #tpu.memory_space<vmem>>
    tpu.enqueue_dma source(%dma_start3A_88 : memref<512xf32, #tpu.memory_space<vmem>>) target(%dma_start3A_86 : memref<512xf32, #tpu.memory_space<hbm>>) target_semaphore(%arg11 : memref<!tpu.dma_semaphore, #tpu.memory_space<semaphore_mem>>)
    %add3A_89 = arith.constant 65536 : i32
    %add3A_90 = arith.addi %add3A_89, %mul3A_2 : i32
    %dma_start3A_91 = arith.constant 2048 : i32
    %dma_start3A_92 = tpu.memref_slice %arg8[%dma_start3A_91] : memref<8704xf32, #tpu.memory_space<vmem>> -> memref<512xf32, #tpu.memory_space<vmem>>
    %dma_start3A_93 = tpu.memref_slice %arg5[%add3A_90] : memref<278528xf32, #tpu.memory_space<hbm>> -> memref<512xf32, #tpu.memory_space<hbm>>
    %dma_start3A_94 = tpu.memref_slice %arg5[%add3A_90] : memref<278528xf32, #tpu.memory_space<hbm>> -> memref<512xf32, #tpu.memory_space<hbm>>
    %dma_start3A_95 = arith.constant 2048 : i32
    %dma_start3A_96 = tpu.memref_slice %arg8[%dma_start3A_95] : memref<8704xf32, #tpu.memory_space<vmem>> -> memref<512xf32, #tpu.memory_space<vmem>>
    tpu.enqueue_dma source(%dma_start3A_96 : memref<512xf32, #tpu.memory_space<vmem>>) target(%dma_start3A_94 : memref<512xf32, #tpu.memory_space<hbm>>) target_semaphore(%arg11 : memref<!tpu.dma_semaphore, #tpu.memory_space<semaphore_mem>>)
    %add3A_97 = arith.constant 81920 : i32
    %add3A_98 = arith.addi %add3A_97, %mul3A_2 : i32
    %dma_start3A_99 = arith.constant 2560 : i32
    %dma_start3A_100 = tpu.memref_slice %arg8[%dma_start3A_99] : memref<8704xf32, #tpu.memory_space<vmem>> -> memref<512xf32, #tpu.memory_space<vmem>>
    %dma_start3A_101 = tpu.memref_slice %arg5[%add3A_98] : memref<278528xf32, #tpu.memory_space<hbm>> -> memref<512xf32, #tpu.memory_space<hbm>>
    %dma_start3A_102 = tpu.memref_slice %arg5[%add3A_98] : memref<278528xf32, #tpu.memory_space<hbm>> -> memref<512xf32, #tpu.memory_space<hbm>>
    %dma_start3A_103 = arith.constant 2560 : i32
    %dma_start3A_104 = tpu.memref_slice %arg8[%dma_start3A_103] : memref<8704xf32, #tpu.memory_space<vmem>> -> memref<512xf32, #tpu.memory_space<vmem>>
    tpu.enqueue_dma source(%dma_start3A_104 : memref<512xf32, #tpu.memory_space<vmem>>) target(%dma_start3A_102 : memref<512xf32, #tpu.memory_space<hbm>>) target_semaphore(%arg11 : memref<!tpu.dma_semaphore, #tpu.memory_space<semaphore_mem>>)
    %add3A_105 = arith.constant 98304 : i32
    %add3A_106 = arith.addi %add3A_105, %mul3A_2 : i32
    %dma_start3A_107 = arith.constant 3072 : i32
    %dma_start3A_108 = tpu.memref_slice %arg8[%dma_start3A_107] : memref<8704xf32, #tpu.memory_space<vmem>> -> memref<512xf32, #tpu.memory_space<vmem>>
    %dma_start3A_109 = tpu.memref_slice %arg5[%add3A_106] : memref<278528xf32, #tpu.memory_space<hbm>> -> memref<512xf32, #tpu.memory_space<hbm>>
    %dma_start3A_110 = tpu.memref_slice %arg5[%add3A_106] : memref<278528xf32, #tpu.memory_space<hbm>> -> memref<512xf32, #tpu.memory_space<hbm>>
    %dma_start3A_111 = arith.constant 3072 : i32
    %dma_start3A_112 = tpu.memref_slice %arg8[%dma_start3A_111] : memref<8704xf32, #tpu.memory_space<vmem>> -> memref<512xf32, #tpu.memory_space<vmem>>
    tpu.enqueue_dma source(%dma_start3A_112 : memref<512xf32, #tpu.memory_space<vmem>>) target(%dma_start3A_110 : memref<512xf32, #tpu.memory_space<hbm>>) target_semaphore(%arg11 : memref<!tpu.dma_semaphore, #tpu.memory_space<semaphore_mem>>)
    %add3A_113 = arith.constant 114688 : i32
    %add3A_114 = arith.addi %add3A_113, %mul3A_2 : i32
    %dma_start3A_115 = arith.constant 3584 : i32
    %dma_start3A_116 = tpu.memref_slice %arg8[%dma_start3A_115] : memref<8704xf32, #tpu.memory_space<vmem>> -> memref<512xf32, #tpu.memory_space<vmem>>
    %dma_start3A_117 = tpu.memref_slice %arg5[%add3A_114] : memref<278528xf32, #tpu.memory_space<hbm>> -> memref<512xf32, #tpu.memory_space<hbm>>
    %dma_start3A_118 = tpu.memref_slice %arg5[%add3A_114] : memref<278528xf32, #tpu.memory_space<hbm>> -> memref<512xf32, #tpu.memory_space<hbm>>
    %dma_start3A_119 = arith.constant 3584 : i32
    %dma_start3A_120 = tpu.memref_slice %arg8[%dma_start3A_119] : memref<8704xf32, #tpu.memory_space<vmem>> -> memref<512xf32, #tpu.memory_space<vmem>>
    tpu.enqueue_dma source(%dma_start3A_120 : memref<512xf32, #tpu.memory_space<vmem>>) target(%dma_start3A_118 : memref<512xf32, #tpu.memory_space<hbm>>) target_semaphore(%arg11 : memref<!tpu.dma_semaphore, #tpu.memory_space<semaphore_mem>>)
    %add3A_121 = arith.constant 131072 : i32
    %add3A_122 = arith.addi %add3A_121, %mul3A_2 : i32
    %dma_start3A_123 = arith.constant 4096 : i32
    %dma_start3A_124 = tpu.memref_slice %arg8[%dma_start3A_123] : memref<8704xf32, #tpu.memory_space<vmem>> -> memref<512xf32, #tpu.memory_space<vmem>>
    %dma_start3A_125 = tpu.memref_slice %arg5[%add3A_122] : memref<278528xf32, #tpu.memory_space<hbm>> -> memref<512xf32, #tpu.memory_space<hbm>>
    %dma_start3A_126 = tpu.memref_slice %arg5[%add3A_122] : memref<278528xf32, #tpu.memory_space<hbm>> -> memref<512xf32, #tpu.memory_space<hbm>>
    %dma_start3A_127 = arith.constant 4096 : i32
    %dma_start3A_128 = tpu.memref_slice %arg8[%dma_start3A_127] : memref<8704xf32, #tpu.memory_space<vmem>> -> memref<512xf32, #tpu.memory_space<vmem>>
    tpu.enqueue_dma source(%dma_start3A_128 : memref<512xf32, #tpu.memory_space<vmem>>) target(%dma_start3A_126 : memref<512xf32, #tpu.memory_space<hbm>>) target_semaphore(%arg11 : memref<!tpu.dma_semaphore, #tpu.memory_space<semaphore_mem>>)
    %add3A_129 = arith.constant 147456 : i32
    %add3A_130 = arith.addi %add3A_129, %mul3A_2 : i32
    %dma_start3A_131 = arith.constant 4608 : i32
    %dma_start3A_132 = tpu.memref_slice %arg8[%dma_start3A_131] : memref<8704xf32, #tpu.memory_space<vmem>> -> memref<512xf32, #tpu.memory_space<vmem>>
    %dma_start3A_133 = tpu.memref_slice %arg5[%add3A_130] : memref<278528xf32, #tpu.memory_space<hbm>> -> memref<512xf32, #tpu.memory_space<hbm>>
    %dma_start3A_134 = tpu.memref_slice %arg5[%add3A_130] : memref<278528xf32, #tpu.memory_space<hbm>> -> memref<512xf32, #tpu.memory_space<hbm>>
    %dma_start3A_135 = arith.constant 4608 : i32
    %dma_start3A_136 = tpu.memref_slice %arg8[%dma_start3A_135] : memref<8704xf32, #tpu.memory_space<vmem>> -> memref<512xf32, #tpu.memory_space<vmem>>
    tpu.enqueue_dma source(%dma_start3A_136 : memref<512xf32, #tpu.memory_space<vmem>>) target(%dma_start3A_134 : memref<512xf32, #tpu.memory_space<hbm>>) target_semaphore(%arg11 : memref<!tpu.dma_semaphore, #tpu.memory_space<semaphore_mem>>)
    %add3A_137 = arith.constant 163840 : i32
    %add3A_138 = arith.addi %add3A_137, %mul3A_2 : i32
    %dma_start3A_139 = arith.constant 5120 : i32
    %dma_start3A_140 = tpu.memref_slice %arg8[%dma_start3A_139] : memref<8704xf32, #tpu.memory_space<vmem>> -> memref<512xf32, #tpu.memory_space<vmem>>
    %dma_start3A_141 = tpu.memref_slice %arg5[%add3A_138] : memref<278528xf32, #tpu.memory_space<hbm>> -> memref<512xf32, #tpu.memory_space<hbm>>
    %dma_start3A_142 = tpu.memref_slice %arg5[%add3A_138] : memref<278528xf32, #tpu.memory_space<hbm>> -> memref<512xf32, #tpu.memory_space<hbm>>
    %dma_start3A_143 = arith.constant 5120 : i32
    %dma_start3A_144 = tpu.memref_slice %arg8[%dma_start3A_143] : memref<8704xf32, #tpu.memory_space<vmem>> -> memref<512xf32, #tpu.memory_space<vmem>>
    tpu.enqueue_dma source(%dma_start3A_144 : memref<512xf32, #tpu.memory_space<vmem>>) target(%dma_start3A_142 : memref<512xf32, #tpu.memory_space<hbm>>) target_semaphore(%arg11 : memref<!tpu.dma_semaphore, #tpu.memory_space<semaphore_mem>>)
    %add3A_145 = arith.constant 180224 : i32
    %add3A_146 = arith.addi %add3A_145, %mul3A_2 : i32
    %dma_start3A_147 = arith.constant 5632 : i32
    %dma_start3A_148 = tpu.memref_slice %arg8[%dma_start3A_147] : memref<8704xf32, #tpu.memory_space<vmem>> -> memref<512xf32, #tpu.memory_space<vmem>>
    %dma_start3A_149 = tpu.memref_slice %arg5[%add3A_146] : memref<278528xf32, #tpu.memory_space<hbm>> -> memref<512xf32, #tpu.memory_space<hbm>>
    %dma_start3A_150 = tpu.memref_slice %arg5[%add3A_146] : memref<278528xf32, #tpu.memory_space<hbm>> -> memref<512xf32, #tpu.memory_space<hbm>>
    %dma_start3A_151 = arith.constant 5632 : i32
    %dma_start3A_152 = tpu.memref_slice %arg8[%dma_start3A_151] : memref<8704xf32, #tpu.memory_space<vmem>> -> memref<512xf32, #tpu.memory_space<vmem>>
    tpu.enqueue_dma source(%dma_start3A_152 : memref<512xf32, #tpu.memory_space<vmem>>) target(%dma_start3A_150 : memref<512xf32, #tpu.memory_space<hbm>>) target_semaphore(%arg11 : memref<!tpu.dma_semaphore, #tpu.memory_space<semaphore_mem>>)
    %add3A_153 = arith.constant 196608 : i32
    %add3A_154 = arith.addi %add3A_153, %mul3A_2 : i32
    %dma_start3A_155 = arith.constant 6144 : i32
    %dma_start3A_156 = tpu.memref_slice %arg8[%dma_start3A_155] : memref<8704xf32, #tpu.memory_space<vmem>> -> memref<512xf32, #tpu.memory_space<vmem>>
    %dma_start3A_157 = tpu.memref_slice %arg5[%add3A_154] : memref<278528xf32, #tpu.memory_space<hbm>> -> memref<512xf32, #tpu.memory_space<hbm>>
    %dma_start3A_158 = tpu.memref_slice %arg5[%add3A_154] : memref<278528xf32, #tpu.memory_space<hbm>> -> memref<512xf32, #tpu.memory_space<hbm>>
    %dma_start3A_159 = arith.constant 6144 : i32
    %dma_start3A_160 = tpu.memref_slice %arg8[%dma_start3A_159] : memref<8704xf32, #tpu.memory_space<vmem>> -> memref<512xf32, #tpu.memory_space<vmem>>
    tpu.enqueue_dma source(%dma_start3A_160 : memref<512xf32, #tpu.memory_space<vmem>>) target(%dma_start3A_158 : memref<512xf32, #tpu.memory_space<hbm>>) target_semaphore(%arg11 : memref<!tpu.dma_semaphore, #tpu.memory_space<semaphore_mem>>)
    %add3A_161 = arith.constant 212992 : i32
    %add3A_162 = arith.addi %add3A_161, %mul3A_2 : i32
    %dma_start3A_163 = arith.constant 6656 : i32
    %dma_start3A_164 = tpu.memref_slice %arg8[%dma_start3A_163] : memref<8704xf32, #tpu.memory_space<vmem>> -> memref<512xf32, #tpu.memory_space<vmem>>
    %dma_start3A_165 = tpu.memref_slice %arg5[%add3A_162] : memref<278528xf32, #tpu.memory_space<hbm>> -> memref<512xf32, #tpu.memory_space<hbm>>
    %dma_start3A_166 = tpu.memref_slice %arg5[%add3A_162] : memref<278528xf32, #tpu.memory_space<hbm>> -> memref<512xf32, #tpu.memory_space<hbm>>
    %dma_start3A_167 = arith.constant 6656 : i32
    %dma_start3A_168 = tpu.memref_slice %arg8[%dma_start3A_167] : memref<8704xf32, #tpu.memory_space<vmem>> -> memref<512xf32, #tpu.memory_space<vmem>>
    tpu.enqueue_dma source(%dma_start3A_168 : memref<512xf32, #tpu.memory_space<vmem>>) target(%dma_start3A_166 : memref<512xf32, #tpu.memory_space<hbm>>) target_semaphore(%arg11 : memref<!tpu.dma_semaphore, #tpu.memory_space<semaphore_mem>>)
    %add3A_169 = arith.constant 229376 : i32
    %add3A_170 = arith.addi %add3A_169, %mul3A_2 : i32
    %dma_start3A_171 = arith.constant 7168 : i32
    %dma_start3A_172 = tpu.memref_slice %arg8[%dma_start3A_171] : memref<8704xf32, #tpu.memory_space<vmem>> -> memref<512xf32, #tpu.memory_space<vmem>>
    %dma_start3A_173 = tpu.memref_slice %arg5[%add3A_170] : memref<278528xf32, #tpu.memory_space<hbm>> -> memref<512xf32, #tpu.memory_space<hbm>>
    %dma_start3A_174 = tpu.memref_slice %arg5[%add3A_170] : memref<278528xf32, #tpu.memory_space<hbm>> -> memref<512xf32, #tpu.memory_space<hbm>>
    %dma_start3A_175 = arith.constant 7168 : i32
    %dma_start3A_176 = tpu.memref_slice %arg8[%dma_start3A_175] : memref<8704xf32, #tpu.memory_space<vmem>> -> memref<512xf32, #tpu.memory_space<vmem>>
    tpu.enqueue_dma source(%dma_start3A_176 : memref<512xf32, #tpu.memory_space<vmem>>) target(%dma_start3A_174 : memref<512xf32, #tpu.memory_space<hbm>>) target_semaphore(%arg11 : memref<!tpu.dma_semaphore, #tpu.memory_space<semaphore_mem>>)
    %add3A_177 = arith.constant 245760 : i32
    %add3A_178 = arith.addi %add3A_177, %mul3A_2 : i32
    %dma_start3A_179 = arith.constant 7680 : i32
    %dma_start3A_180 = tpu.memref_slice %arg8[%dma_start3A_179] : memref<8704xf32, #tpu.memory_space<vmem>> -> memref<512xf32, #tpu.memory_space<vmem>>
    %dma_start3A_181 = tpu.memref_slice %arg5[%add3A_178] : memref<278528xf32, #tpu.memory_space<hbm>> -> memref<512xf32, #tpu.memory_space<hbm>>
    %dma_start3A_182 = tpu.memref_slice %arg5[%add3A_178] : memref<278528xf32, #tpu.memory_space<hbm>> -> memref<512xf32, #tpu.memory_space<hbm>>
    %dma_start3A_183 = arith.constant 7680 : i32
    %dma_start3A_184 = tpu.memref_slice %arg8[%dma_start3A_183] : memref<8704xf32, #tpu.memory_space<vmem>> -> memref<512xf32, #tpu.memory_space<vmem>>
    tpu.enqueue_dma source(%dma_start3A_184 : memref<512xf32, #tpu.memory_space<vmem>>) target(%dma_start3A_182 : memref<512xf32, #tpu.memory_space<hbm>>) target_semaphore(%arg11 : memref<!tpu.dma_semaphore, #tpu.memory_space<semaphore_mem>>)
    %add3A_185 = arith.constant 262144 : i32
    %add3A_186 = arith.addi %add3A_185, %mul3A_2 : i32
    %dma_start3A_187 = arith.constant 8192 : i32
    %dma_start3A_188 = tpu.memref_slice %arg8[%dma_start3A_187] : memref<8704xf32, #tpu.memory_space<vmem>> -> memref<512xf32, #tpu.memory_space<vmem>>
    %dma_start3A_189 = tpu.memref_slice %arg5[%add3A_186] : memref<278528xf32, #tpu.memory_space<hbm>> -> memref<512xf32, #tpu.memory_space<hbm>>
    %dma_start3A_190 = tpu.memref_slice %arg5[%add3A_186] : memref<278528xf32, #tpu.memory_space<hbm>> -> memref<512xf32, #tpu.memory_space<hbm>>
    %dma_start3A_191 = arith.constant 8192 : i32
    %dma_start3A_192 = tpu.memref_slice %arg8[%dma_start3A_191] : memref<8704xf32, #tpu.memory_space<vmem>> -> memref<512xf32, #tpu.memory_space<vmem>>
    tpu.enqueue_dma source(%dma_start3A_192 : memref<512xf32, #tpu.memory_space<vmem>>) target(%dma_start3A_190 : memref<512xf32, #tpu.memory_space<hbm>>) target_semaphore(%arg11 : memref<!tpu.dma_semaphore, #tpu.memory_space<semaphore_mem>>)
    %dma_wait3A_193 = arith.constant 0 : i32
    %dma_wait3A_194 = tpu.memref_slice %arg8[%dma_wait3A_193] : memref<8704xf32, #tpu.memory_space<vmem>> -> memref<512xf32, #tpu.memory_space<vmem>>
    %dma_wait3A_195 = tpu.memref_slice %arg5[%add3A_58] : memref<278528xf32, #tpu.memory_space<hbm>> -> memref<512xf32, #tpu.memory_space<hbm>>
    %dma_wait3A_196 = tpu.memref_slice %arg5[%add3A_58] : memref<278528xf32, #tpu.memory_space<hbm>> -> memref<512xf32, #tpu.memory_space<hbm>>
    %dma_wait3A_197 = arith.constant 0 : i32
    %dma_wait3A_198 = tpu.memref_slice %arg8[%dma_wait3A_197] : memref<8704xf32, #tpu.memory_space<vmem>> -> memref<512xf32, #tpu.memory_space<vmem>>
    tpu.wait_dma2 semaphore(%arg11 : memref<!tpu.dma_semaphore, #tpu.memory_space<semaphore_mem>>) src(%dma_wait3A_198 : memref<512xf32, #tpu.memory_space<vmem>>) dst(%dma_wait3A_196 : memref<512xf32, #tpu.memory_space<hbm>>)
    %dma_wait3A_199 = arith.constant 512 : i32
    %dma_wait3A_200 = tpu.memref_slice %arg8[%dma_wait3A_199] : memref<8704xf32, #tpu.memory_space<vmem>> -> memref<512xf32, #tpu.memory_space<vmem>>
    %dma_wait3A_201 = tpu.memref_slice %arg5[%add3A_66] : memref<278528xf32, #tpu.memory_space<hbm>> -> memref<512xf32, #tpu.memory_space<hbm>>
    %dma_wait3A_202 = tpu.memref_slice %arg5[%add3A_66] : memref<278528xf32, #tpu.memory_space<hbm>> -> memref<512xf32, #tpu.memory_space<hbm>>
    %dma_wait3A_203 = arith.constant 512 : i32
    %dma_wait3A_204 = tpu.memref_slice %arg8[%dma_wait3A_203] : memref<8704xf32, #tpu.memory_space<vmem>> -> memref<512xf32, #tpu.memory_space<vmem>>
    tpu.wait_dma2 semaphore(%arg11 : memref<!tpu.dma_semaphore, #tpu.memory_space<semaphore_mem>>) src(%dma_wait3A_204 : memref<512xf32, #tpu.memory_space<vmem>>) dst(%dma_wait3A_202 : memref<512xf32, #tpu.memory_space<hbm>>)
    %dma_wait3A_205 = arith.constant 1024 : i32
    %dma_wait3A_206 = tpu.memref_slice %arg8[%dma_wait3A_205] : memref<8704xf32, #tpu.memory_space<vmem>> -> memref<512xf32, #tpu.memory_space<vmem>>
    %dma_wait3A_207 = tpu.memref_slice %arg5[%add3A_74] : memref<278528xf32, #tpu.memory_space<hbm>> -> memref<512xf32, #tpu.memory_space<hbm>>
    %dma_wait3A_208 = tpu.memref_slice %arg5[%add3A_74] : memref<278528xf32, #tpu.memory_space<hbm>> -> memref<512xf32, #tpu.memory_space<hbm>>
    %dma_wait3A_209 = arith.constant 1024 : i32
    %dma_wait3A_210 = tpu.memref_slice %arg8[%dma_wait3A_209] : memref<8704xf32, #tpu.memory_space<vmem>> -> memref<512xf32, #tpu.memory_space<vmem>>
    tpu.wait_dma2 semaphore(%arg11 : memref<!tpu.dma_semaphore, #tpu.memory_space<semaphore_mem>>) src(%dma_wait3A_210 : memref<512xf32, #tpu.memory_space<vmem>>) dst(%dma_wait3A_208 : memref<512xf32, #tpu.memory_space<hbm>>)
    %dma_wait3A_211 = arith.constant 1536 : i32
    %dma_wait3A_212 = tpu.memref_slice %arg8[%dma_wait3A_211] : memref<8704xf32, #tpu.memory_space<vmem>> -> memref<512xf32, #tpu.memory_space<vmem>>
    %dma_wait3A_213 = tpu.memref_slice %arg5[%add3A_82] : memref<278528xf32, #tpu.memory_space<hbm>> -> memref<512xf32, #tpu.memory_space<hbm>>
    %dma_wait3A_214 = tpu.memref_slice %arg5[%add3A_82] : memref<278528xf32, #tpu.memory_space<hbm>> -> memref<512xf32, #tpu.memory_space<hbm>>
    %dma_wait3A_215 = arith.constant 1536 : i32
    %dma_wait3A_216 = tpu.memref_slice %arg8[%dma_wait3A_215] : memref<8704xf32, #tpu.memory_space<vmem>> -> memref<512xf32, #tpu.memory_space<vmem>>
    tpu.wait_dma2 semaphore(%arg11 : memref<!tpu.dma_semaphore, #tpu.memory_space<semaphore_mem>>) src(%dma_wait3A_216 : memref<512xf32, #tpu.memory_space<vmem>>) dst(%dma_wait3A_214 : memref<512xf32, #tpu.memory_space<hbm>>)
    %dma_wait3A_217 = arith.constant 2048 : i32
    %dma_wait3A_218 = tpu.memref_slice %arg8[%dma_wait3A_217] : memref<8704xf32, #tpu.memory_space<vmem>> -> memref<512xf32, #tpu.memory_space<vmem>>
    %dma_wait3A_219 = tpu.memref_slice %arg5[%add3A_90] : memref<278528xf32, #tpu.memory_space<hbm>> -> memref<512xf32, #tpu.memory_space<hbm>>
    %dma_wait3A_220 = tpu.memref_slice %arg5[%add3A_90] : memref<278528xf32, #tpu.memory_space<hbm>> -> memref<512xf32, #tpu.memory_space<hbm>>
    %dma_wait3A_221 = arith.constant 2048 : i32
    %dma_wait3A_222 = tpu.memref_slice %arg8[%dma_wait3A_221] : memref<8704xf32, #tpu.memory_space<vmem>> -> memref<512xf32, #tpu.memory_space<vmem>>
    tpu.wait_dma2 semaphore(%arg11 : memref<!tpu.dma_semaphore, #tpu.memory_space<semaphore_mem>>) src(%dma_wait3A_222 : memref<512xf32, #tpu.memory_space<vmem>>) dst(%dma_wait3A_220 : memref<512xf32, #tpu.memory_space<hbm>>)
    %dma_wait3A_223 = arith.constant 2560 : i32
    %dma_wait3A_224 = tpu.memref_slice %arg8[%dma_wait3A_223] : memref<8704xf32, #tpu.memory_space<vmem>> -> memref<512xf32, #tpu.memory_space<vmem>>
    %dma_wait3A_225 = tpu.memref_slice %arg5[%add3A_98] : memref<278528xf32, #tpu.memory_space<hbm>> -> memref<512xf32, #tpu.memory_space<hbm>>
    %dma_wait3A_226 = tpu.memref_slice %arg5[%add3A_98] : memref<278528xf32, #tpu.memory_space<hbm>> -> memref<512xf32, #tpu.memory_space<hbm>>
    %dma_wait3A_227 = arith.constant 2560 : i32
    %dma_wait3A_228 = tpu.memref_slice %arg8[%dma_wait3A_227] : memref<8704xf32, #tpu.memory_space<vmem>> -> memref<512xf32, #tpu.memory_space<vmem>>
    tpu.wait_dma2 semaphore(%arg11 : memref<!tpu.dma_semaphore, #tpu.memory_space<semaphore_mem>>) src(%dma_wait3A_228 : memref<512xf32, #tpu.memory_space<vmem>>) dst(%dma_wait3A_226 : memref<512xf32, #tpu.memory_space<hbm>>)
    %dma_wait3A_229 = arith.constant 3072 : i32
    %dma_wait3A_230 = tpu.memref_slice %arg8[%dma_wait3A_229] : memref<8704xf32, #tpu.memory_space<vmem>> -> memref<512xf32, #tpu.memory_space<vmem>>
    %dma_wait3A_231 = tpu.memref_slice %arg5[%add3A_106] : memref<278528xf32, #tpu.memory_space<hbm>> -> memref<512xf32, #tpu.memory_space<hbm>>
    %dma_wait3A_232 = tpu.memref_slice %arg5[%add3A_106] : memref<278528xf32, #tpu.memory_space<hbm>> -> memref<512xf32, #tpu.memory_space<hbm>>
    %dma_wait3A_233 = arith.constant 3072 : i32
    %dma_wait3A_234 = tpu.memref_slice %arg8[%dma_wait3A_233] : memref<8704xf32, #tpu.memory_space<vmem>> -> memref<512xf32, #tpu.memory_space<vmem>>
    tpu.wait_dma2 semaphore(%arg11 : memref<!tpu.dma_semaphore, #tpu.memory_space<semaphore_mem>>) src(%dma_wait3A_234 : memref<512xf32, #tpu.memory_space<vmem>>) dst(%dma_wait3A_232 : memref<512xf32, #tpu.memory_space<hbm>>)
    %dma_wait3A_235 = arith.constant 3584 : i32
    %dma_wait3A_236 = tpu.memref_slice %arg8[%dma_wait3A_235] : memref<8704xf32, #tpu.memory_space<vmem>> -> memref<512xf32, #tpu.memory_space<vmem>>
    %dma_wait3A_237 = tpu.memref_slice %arg5[%add3A_114] : memref<278528xf32, #tpu.memory_space<hbm>> -> memref<512xf32, #tpu.memory_space<hbm>>
    %dma_wait3A_238 = tpu.memref_slice %arg5[%add3A_114] : memref<278528xf32, #tpu.memory_space<hbm>> -> memref<512xf32, #tpu.memory_space<hbm>>
    %dma_wait3A_239 = arith.constant 3584 : i32
    %dma_wait3A_240 = tpu.memref_slice %arg8[%dma_wait3A_239] : memref<8704xf32, #tpu.memory_space<vmem>> -> memref<512xf32, #tpu.memory_space<vmem>>
    tpu.wait_dma2 semaphore(%arg11 : memref<!tpu.dma_semaphore, #tpu.memory_space<semaphore_mem>>) src(%dma_wait3A_240 : memref<512xf32, #tpu.memory_space<vmem>>) dst(%dma_wait3A_238 : memref<512xf32, #tpu.memory_space<hbm>>)
    %dma_wait3A_241 = arith.constant 4096 : i32
    %dma_wait3A_242 = tpu.memref_slice %arg8[%dma_wait3A_241] : memref<8704xf32, #tpu.memory_space<vmem>> -> memref<512xf32, #tpu.memory_space<vmem>>
    %dma_wait3A_243 = tpu.memref_slice %arg5[%add3A_122] : memref<278528xf32, #tpu.memory_space<hbm>> -> memref<512xf32, #tpu.memory_space<hbm>>
    %dma_wait3A_244 = tpu.memref_slice %arg5[%add3A_122] : memref<278528xf32, #tpu.memory_space<hbm>> -> memref<512xf32, #tpu.memory_space<hbm>>
    %dma_wait3A_245 = arith.constant 4096 : i32
    %dma_wait3A_246 = tpu.memref_slice %arg8[%dma_wait3A_245] : memref<8704xf32, #tpu.memory_space<vmem>> -> memref<512xf32, #tpu.memory_space<vmem>>
    tpu.wait_dma2 semaphore(%arg11 : memref<!tpu.dma_semaphore, #tpu.memory_space<semaphore_mem>>) src(%dma_wait3A_246 : memref<512xf32, #tpu.memory_space<vmem>>) dst(%dma_wait3A_244 : memref<512xf32, #tpu.memory_space<hbm>>)
    %dma_wait3A_247 = arith.constant 4608 : i32
    %dma_wait3A_248 = tpu.memref_slice %arg8[%dma_wait3A_247] : memref<8704xf32, #tpu.memory_space<vmem>> -> memref<512xf32, #tpu.memory_space<vmem>>
    %dma_wait3A_249 = tpu.memref_slice %arg5[%add3A_130] : memref<278528xf32, #tpu.memory_space<hbm>> -> memref<512xf32, #tpu.memory_space<hbm>>
    %dma_wait3A_250 = tpu.memref_slice %arg5[%add3A_130] : memref<278528xf32, #tpu.memory_space<hbm>> -> memref<512xf32, #tpu.memory_space<hbm>>
    %dma_wait3A_251 = arith.constant 4608 : i32
    %dma_wait3A_252 = tpu.memref_slice %arg8[%dma_wait3A_251] : memref<8704xf32, #tpu.memory_space<vmem>> -> memref<512xf32, #tpu.memory_space<vmem>>
    tpu.wait_dma2 semaphore(%arg11 : memref<!tpu.dma_semaphore, #tpu.memory_space<semaphore_mem>>) src(%dma_wait3A_252 : memref<512xf32, #tpu.memory_space<vmem>>) dst(%dma_wait3A_250 : memref<512xf32, #tpu.memory_space<hbm>>)
    %dma_wait3A_253 = arith.constant 5120 : i32
    %dma_wait3A_254 = tpu.memref_slice %arg8[%dma_wait3A_253] : memref<8704xf32, #tpu.memory_space<vmem>> -> memref<512xf32, #tpu.memory_space<vmem>>
    %dma_wait3A_255 = tpu.memref_slice %arg5[%add3A_138] : memref<278528xf32, #tpu.memory_space<hbm>> -> memref<512xf32, #tpu.memory_space<hbm>>
    %dma_wait3A_256 = tpu.memref_slice %arg5[%add3A_138] : memref<278528xf32, #tpu.memory_space<hbm>> -> memref<512xf32, #tpu.memory_space<hbm>>
    %dma_wait3A_257 = arith.constant 5120 : i32
    %dma_wait3A_258 = tpu.memref_slice %arg8[%dma_wait3A_257] : memref<8704xf32, #tpu.memory_space<vmem>> -> memref<512xf32, #tpu.memory_space<vmem>>
    tpu.wait_dma2 semaphore(%arg11 : memref<!tpu.dma_semaphore, #tpu.memory_space<semaphore_mem>>) src(%dma_wait3A_258 : memref<512xf32, #tpu.memory_space<vmem>>) dst(%dma_wait3A_256 : memref<512xf32, #tpu.memory_space<hbm>>)
    %dma_wait3A_259 = arith.constant 5632 : i32
    %dma_wait3A_260 = tpu.memref_slice %arg8[%dma_wait3A_259] : memref<8704xf32, #tpu.memory_space<vmem>> -> memref<512xf32, #tpu.memory_space<vmem>>
    %dma_wait3A_261 = tpu.memref_slice %arg5[%add3A_146] : memref<278528xf32, #tpu.memory_space<hbm>> -> memref<512xf32, #tpu.memory_space<hbm>>
    %dma_wait3A_262 = tpu.memref_slice %arg5[%add3A_146] : memref<278528xf32, #tpu.memory_space<hbm>> -> memref<512xf32, #tpu.memory_space<hbm>>
    %dma_wait3A_263 = arith.constant 5632 : i32
    %dma_wait3A_264 = tpu.memref_slice %arg8[%dma_wait3A_263] : memref<8704xf32, #tpu.memory_space<vmem>> -> memref<512xf32, #tpu.memory_space<vmem>>
    tpu.wait_dma2 semaphore(%arg11 : memref<!tpu.dma_semaphore, #tpu.memory_space<semaphore_mem>>) src(%dma_wait3A_264 : memref<512xf32, #tpu.memory_space<vmem>>) dst(%dma_wait3A_262 : memref<512xf32, #tpu.memory_space<hbm>>)
    %dma_wait3A_265 = arith.constant 6144 : i32
    %dma_wait3A_266 = tpu.memref_slice %arg8[%dma_wait3A_265] : memref<8704xf32, #tpu.memory_space<vmem>> -> memref<512xf32, #tpu.memory_space<vmem>>
    %dma_wait3A_267 = tpu.memref_slice %arg5[%add3A_154] : memref<278528xf32, #tpu.memory_space<hbm>> -> memref<512xf32, #tpu.memory_space<hbm>>
    %dma_wait3A_268 = tpu.memref_slice %arg5[%add3A_154] : memref<278528xf32, #tpu.memory_space<hbm>> -> memref<512xf32, #tpu.memory_space<hbm>>
    %dma_wait3A_269 = arith.constant 6144 : i32
    %dma_wait3A_270 = tpu.memref_slice %arg8[%dma_wait3A_269] : memref<8704xf32, #tpu.memory_space<vmem>> -> memref<512xf32, #tpu.memory_space<vmem>>
    tpu.wait_dma2 semaphore(%arg11 : memref<!tpu.dma_semaphore, #tpu.memory_space<semaphore_mem>>) src(%dma_wait3A_270 : memref<512xf32, #tpu.memory_space<vmem>>) dst(%dma_wait3A_268 : memref<512xf32, #tpu.memory_space<hbm>>)
    %dma_wait3A_271 = arith.constant 6656 : i32
    %dma_wait3A_272 = tpu.memref_slice %arg8[%dma_wait3A_271] : memref<8704xf32, #tpu.memory_space<vmem>> -> memref<512xf32, #tpu.memory_space<vmem>>
    %dma_wait3A_273 = tpu.memref_slice %arg5[%add3A_162] : memref<278528xf32, #tpu.memory_space<hbm>> -> memref<512xf32, #tpu.memory_space<hbm>>
    %dma_wait3A_274 = tpu.memref_slice %arg5[%add3A_162] : memref<278528xf32, #tpu.memory_space<hbm>> -> memref<512xf32, #tpu.memory_space<hbm>>
    %dma_wait3A_275 = arith.constant 6656 : i32
    %dma_wait3A_276 = tpu.memref_slice %arg8[%dma_wait3A_275] : memref<8704xf32, #tpu.memory_space<vmem>> -> memref<512xf32, #tpu.memory_space<vmem>>
    tpu.wait_dma2 semaphore(%arg11 : memref<!tpu.dma_semaphore, #tpu.memory_space<semaphore_mem>>) src(%dma_wait3A_276 : memref<512xf32, #tpu.memory_space<vmem>>) dst(%dma_wait3A_274 : memref<512xf32, #tpu.memory_space<hbm>>)
    %dma_wait3A_277 = arith.constant 7168 : i32
    %dma_wait3A_278 = tpu.memref_slice %arg8[%dma_wait3A_277] : memref<8704xf32, #tpu.memory_space<vmem>> -> memref<512xf32, #tpu.memory_space<vmem>>
    %dma_wait3A_279 = tpu.memref_slice %arg5[%add3A_170] : memref<278528xf32, #tpu.memory_space<hbm>> -> memref<512xf32, #tpu.memory_space<hbm>>
    %dma_wait3A_280 = tpu.memref_slice %arg5[%add3A_170] : memref<278528xf32, #tpu.memory_space<hbm>> -> memref<512xf32, #tpu.memory_space<hbm>>
    %dma_wait3A_281 = arith.constant 7168 : i32
    %dma_wait3A_282 = tpu.memref_slice %arg8[%dma_wait3A_281] : memref<8704xf32, #tpu.memory_space<vmem>> -> memref<512xf32, #tpu.memory_space<vmem>>
    tpu.wait_dma2 semaphore(%arg11 : memref<!tpu.dma_semaphore, #tpu.memory_space<semaphore_mem>>) src(%dma_wait3A_282 : memref<512xf32, #tpu.memory_space<vmem>>) dst(%dma_wait3A_280 : memref<512xf32, #tpu.memory_space<hbm>>)
    %dma_wait3A_283 = arith.constant 7680 : i32
    %dma_wait3A_284 = tpu.memref_slice %arg8[%dma_wait3A_283] : memref<8704xf32, #tpu.memory_space<vmem>> -> memref<512xf32, #tpu.memory_space<vmem>>
    %dma_wait3A_285 = tpu.memref_slice %arg5[%add3A_178] : memref<278528xf32, #tpu.memory_space<hbm>> -> memref<512xf32, #tpu.memory_space<hbm>>
    %dma_wait3A_286 = tpu.memref_slice %arg5[%add3A_178] : memref<278528xf32, #tpu.memory_space<hbm>> -> memref<512xf32, #tpu.memory_space<hbm>>
    %dma_wait3A_287 = arith.constant 7680 : i32
    %dma_wait3A_288 = tpu.memref_slice %arg8[%dma_wait3A_287] : memref<8704xf32, #tpu.memory_space<vmem>> -> memref<512xf32, #tpu.memory_space<vmem>>
    tpu.wait_dma2 semaphore(%arg11 : memref<!tpu.dma_semaphore, #tpu.memory_space<semaphore_mem>>) src(%dma_wait3A_288 : memref<512xf32, #tpu.memory_space<vmem>>) dst(%dma_wait3A_286 : memref<512xf32, #tpu.memory_space<hbm>>)
    %dma_wait3A_289 = arith.constant 8192 : i32
    %dma_wait3A_290 = tpu.memref_slice %arg8[%dma_wait3A_289] : memref<8704xf32, #tpu.memory_space<vmem>> -> memref<512xf32, #tpu.memory_space<vmem>>
    %dma_wait3A_291 = tpu.memref_slice %arg5[%add3A_186] : memref<278528xf32, #tpu.memory_space<hbm>> -> memref<512xf32, #tpu.memory_space<hbm>>
    %dma_wait3A_292 = tpu.memref_slice %arg5[%add3A_186] : memref<278528xf32, #tpu.memory_space<hbm>> -> memref<512xf32, #tpu.memory_space<hbm>>
    %dma_wait3A_293 = arith.constant 8192 : i32
    %dma_wait3A_294 = tpu.memref_slice %arg8[%dma_wait3A_293] : memref<8704xf32, #tpu.memory_space<vmem>> -> memref<512xf32, #tpu.memory_space<vmem>>
    tpu.wait_dma2 semaphore(%arg11 : memref<!tpu.dma_semaphore, #tpu.memory_space<semaphore_mem>>) src(%dma_wait3A_294 : memref<512xf32, #tpu.memory_space<vmem>>) dst(%dma_wait3A_292 : memref<512xf32, #tpu.memory_space<hbm>>)
    return
  }
}

</mosaic_0001>

<sc_bundles>
// kernel: kernel.3.cloned.1.call-start
scs
__scs_entry_jumppad:
0x0: {  	(pc) =	sbr.rel $0x88, $3  }
0x1: {  	(tag) =	ssettag $0x0;
	lr =	simm.s32 $0x1  }
0x2: {  	[smem:$0x3F9E] =	sst lr;
	_ =	strace $0xD0000000  }
0x3: {  	_ = 	snop  }
0x4: {  	_ = 	snop  }
0x5: {  	_ = 	snop  }
0x6: {  	_ = 	snop  }
0x7: {  	_ = 	snop  }
__scs_overlays_trampoline_lowered:
0x8: {  	[smem:$0x3FAD] =	sst s0  }
0x9: {  	[smem:$0x3FAE] =	sst s1  }
0xa: {  	[smem:$0x3FAF] =	sst s2  }
0xb: {  	[smem:$0x3FB0] =	sst s3  }
0xc: {  	[smem:$0x3FB1] =	sst s4  }
0xd: {  	[smem:$0x3FB2] =	sst s5  }
0xe: {  	[smem:$0x3FB3] =	sst s6  }
0xf: {  	[smem:$0x3FB4] =	sst s7  }
0x10: {  	[smem:$0x3FB5] =	sst s8  }
0x11: {  	[smem:$0x3FB6] =	sst s9;
	s0 =	simm.s32 @!p0 $0x0  }
0x12: {  	s1 =	sld [smem:$0x3F9C];
	s0 =	simm.s32 @p0 $0x1  }
0x13: {  	[smem:$0x3FB7] =	sst s0;
	s0 =	simm.s32 @!p1 $0x0  }
0x14: {  	s2 =	sld [smem:$0x3F9B];
	s0 =	simm.s32 @p1 $0x1  }
0x15: {  	[smem:$0x3FB8] =	sst s0;
	s0 =	simm.s32 @!p2 $0x0  }
0x16: {  	s3 =	sld [smem:$0x3FDB];
	s0 =	simm.s32 @p2 $0x1  }
0x17: {  	s4 =	simm.s32 $0x1BF5;
	[smem:$0x3FBA] =	sst s0  }
0x18: {  	s0 =	sld [smem:$0x3F9D];
	_ =	swait.ge [sflag:s4], $0x0  }
0x19: {  	s7 =	sld [smem:$0x3F9E]  }
0x1a: {  	s8 =	sadd.s32 $0xFFFFE003, lr  }
0x1b: {  	s9 =	sadd.s32 $0xFFFFFEF7, lr;
	s5 =	simm.s32 $0xFFFFFFFF;
	p2 =	slt.u32 s8, $0xFFFFF086  }
0x1c: {  	p1 =	slt.u32 s9, $0xF7A;
	s5 =	simm.s32 @!p2 $0x0  }
0x1d: {  	s5 =	simm.s32 @p1 $0x1;
	p0 =	seq.s32 s7, s2  }
0x1e: {  	s7 =	smul.u32 @!p0 $0xF7A, s2;
	p2 =	seq.s32 @!p0 s5, $0x0  }
0x1f: {  	s9 =	smul.u32 $0xF7A, s1;
	s8 =	simm.s32 @!p0 $0x1BF5;
	p2 =	por !p2, p0  }
0x20: {  	[sflag:s8] =	ssyncset.s32 @!p0 $0xFFFFF086;
	s6 =	sadd.s32 @!p0 s3, s7;
	s7 =	simm.s32 @!p0 $0x108  }
0x21: {  	s3 =	sadd.s32 s3, s9;
	s6 =	sadd.s32 @!p0 $0x88, s6;
	s7 =	simm.s32 @p2 $0x1082  }
0x22: {  	[simem:s7], [sflag:s8] =	dma.local @!p0 [hbm:s6], $0xF7A  }
0x23: {  	s9 =	sor.u32 $0xD0000000, s2;
	s6 =	simm.s32 $0x108;
	_ =	swait.ge @!p0 [sflag:s8], $0x0  }
0x24: {  	s3 =	sadd.s32 $0x88, s3;
	s6 =	simm.s32 @!p1 $0x1082;
	[sflag:s4] =	ssyncset.s32 $0xFFFFF086  }
0x25: {  	[simem:s6], [sflag:s4] =	dma.local [hbm:s3], $0xF7A  }
0x26: {  	[smem:$0x3F9E] =	sst s1;
	(tag) =	ssettag s2;
	_ =	strace s9  }
0x27: {  	s1 =	sld [smem:$0x3FAE]  }
0x28: {  	s2 =	sld [smem:$0x3FAF]  }
0x29: {  	s4 =	sld [smem:$0x3FB1]  }
0x2a: {  	p0 =	seq.s32 s5, $0x0;
	s5 =	sld [smem:$0x3FB2]  }
0x2b: {  	s6 =	sld [smem:$0x3FB3]  }
0x2c: {  	s7 =	sld [smem:$0x3FB4]  }
0x2d: {  	s3 =	simm.s32 $0x108;
	s8 =	sld [smem:$0x3FB5]  }
0x2e: {  	s3 =	simm.s32 @!p0 $0x1082;
	s9 =	sld [smem:$0x3FB6]  }
0x2f: {  	lr =	sadd.s32 s0, s3;
	s0 =	sld [smem:$0x3FAD]  }
0x30: {  	s3 =	sld [smem:$0x3FB0]  }
0x31: {  	[smem:$0x3FB9] =	sst s10  }
0x32: {  	s10 =	sld [smem:$0x3FB7];
	_ =	sdelay $0x3  }
0x33: {  	p0 =	seq.s32 s10, $0x1;
	s10 =	sld [smem:$0x3FB9];
	_ =	sdelay $0x3  }
0x34: {  	[smem:$0x3FB9] =	sst s10  }
0x35: {  	s10 =	sld [smem:$0x3FB8];
	_ =	sdelay $0x3  }
0x36: {  	p1 =	seq.s32 s10, $0x1;
	s10 =	sld [smem:$0x3FB9];
	_ =	sdelay $0x3  }
0x37: {  	[smem:$0x3FB9] =	sst s10  }
0x38: {  	s10 =	sld [smem:$0x3FBA]  }
0x39: {  	_ = 	snop;
	(pc) =	sbr.ind lr, $3  }
0x3a: {  	_ = 	snop  }
0x3b: {  	_ = 	snop  }
0x3c: {  	p2 =	seq.s32 s10, $0x1;
	s10 =	sld [smem:$0x3FB9]  }
0x3d: {  	_ =	shalt  }
0x3e: {  	_ =	shalt  }
0x3f: {  	_ =	shalt  }
0x40: {  	_ =	shalt  }
0x41: {  	_ =	shalt  }
0x42: {  	_ =	shalt  }
0x43: {  	_ =	shalt  }
0x44: {  	_ =	shalt  }
0x45: {  	_ =	shalt  }
0x46: {  	_ =	shalt  }
0x47: {  	_ =	shalt  }
0x48: {  	_ =	shalt  }
0x49: {  	_ =	shalt  }
0x4a: {  	_ =	shalt  }
0x4b: {  	_ =	shalt  }
0x4c: {  	_ =	shalt  }
0x4d: {  	_ =	shalt  }
0x4e: {  	_ =	shalt  }
0x4f: {  	_ =	shalt  }
0x50: {  	_ =	shalt  }
0x51: {  	_ =	shalt  }
0x52: {  	_ =	shalt  }
0x53: {  	_ =	shalt  }
0x54: {  	_ =	shalt  }
0x55: {  	_ =	shalt  }
0x56: {  	_ =	shalt  }
0x57: {  	_ =	shalt  }
0x58: {  	_ =	shalt  }
0x59: {  	_ =	shalt  }
0x5a: {  	_ =	shalt  }
0x5b: {  	_ =	shalt  }
0x5c: {  	_ =	shalt  }
0x5d: {  	_ =	shalt  }
0x5e: {  	_ =	shalt  }
0x5f: {  	_ =	shalt  }
0x60: {  	_ =	shalt  }
0x61: {  	_ =	shalt  }
0x62: {  	_ =	shalt  }
0x63: {  	_ =	shalt  }
0x64: {  	_ =	shalt  }
0x65: {  	_ =	shalt  }
0x66: {  	_ =	shalt  }
0x67: {  	_ =	shalt  }
0x68: {  	_ =	shalt  }
0x69: {  	_ =	shalt  }
0x6a: {  	_ =	shalt  }
0x6b: {  	_ =	shalt  }
0x6c: {  	_ =	shalt  }
0x6d: {  	_ =	shalt  }
0x6e: {  	_ =	shalt  }
0x6f: {  	_ =	shalt  }
0x70: {  	_ =	shalt  }
0x71: {  	_ =	shalt  }
0x72: {  	_ =	shalt  }
0x73: {  	_ =	shalt  }
0x74: {  	_ =	shalt  }
0x75: {  	_ =	shalt  }
0x76: {  	_ =	shalt  }
0x77: {  	_ =	shalt  }
0x78: {  	_ =	shalt  }
0x79: {  	_ =	shalt  }
0x7a: {  	_ =	shalt  }
0x7b: {  	_ =	shalt  }
0x7c: {  	_ =	shalt  }
0x7d: {  	_ =	shalt  }
0x7e: {  	_ =	shalt  }
0x7f: {  	_ =	shalt  }
0x80: {  	_ =	shalt  }
0x81: {  	_ =	shalt  }
0x82: {  	_ =	shalt  }
0x83: {  	_ =	shalt  }
0x84: {  	_ =	shalt  }
0x85: {  	_ =	shalt  }
0x86: {  	_ =	shalt  }
0x87: {  	_ =	shalt  }
.Lfunc_end0:
.L_simem_size_0:
called_computation_lowered:
.L_overlay_start_0:
0x88: {  	s2 =	sld [smem:$0x3FD9]  }
0x89: {  	s3 =	sld [smem:$0x3FFE];
	_ =	sdelay $0x1  }
0x8a: {  	s1 =	srdreg.scid  }
0x8b: {  	s0 =	sand.u32 $0x1, s1  }
0x8c: {  	s17 =	sshll.u32 s0, $0xA;
	s2 =	sadd.s32 s3, s2  }
0x8d: {  	s2 =	sadd.s32 s2, s17  }
0x8e: {  	[smem:$0x3FC5] =	sst s2  }
0x8f: {  	_ = 	snop  }
0x90: {  	s2 =	sld [smem:$0x3FC9]  }
0x91: {  	s18 =	sld [smem:$0x3FC8];
	(tm) =	ssettm $0x1  }
0x92: {  	s4 =	sld [smem:$0x3FFB];
	_ =	sdelay $0x3  }
0x93: {  	_ =	strace s4  }
0x94: {  	s4 =	sld [smem:$0x3FFC];
	_ =	sdelay $0x3  }
0x95: {  	_ =	strace s4  }
0x96: {  	s4 =	sld [smem:$0x3FFD];
	_ =	sdelay $0x3  }
0x97: {  	_ =	strace s4  }
0x98: {  	_ =	strace $0x8FFFFFFF  }
0x99: {  	s19 =	sld [smem:$0x3FDB];
	_ =	sdelay $0x1  }
0x9a: {  	s5 =	simm.s32 $_scs_section_size  }
0x9b: {  	s6 =	simm.s32 $_size__tile_overlayer_lowered;
	s7 =	simm.s32 $_tile_overlayer_lowered  }
0x9c: {  	s22 =	simm.s32 $0x1BFF;
	s21 =	sshll.u32 s7, $0x1;
	s4 =	sadd.s32 s5, s19  }
0x9d: {  	s8 =	simm.s32 $0x0;
	s20 =	sshll.u32 s6, $0x1;
	s6 =	sadd.s32 s21, s4  }
0x9e: {  	[timem:s8], [sflag:s22] =	dma.local [hbm:s6], s20  }
0x9f: {  	_ =	swait.ge [sflag:s22], s20  }
0xa0: {  	s5 =	ssub.s32 $0x0, s20;
	[sflag:s22] =	ssyncset.done $0x0  }
0xa1: {  	[sflag:s22] =	ssyncadd.s32 s5;
	_ =	sdelay $0x1  }
0xa2: {  	s23 =	simm.s32 $0x1B8B  }
0xa3: {  	_ =	swait.ge [sflag:s23], $0x1  }
0xa4: {  	[sflag:s23] =	ssyncset.done $0x0  }
0xa5: {  	s25 =	simm.s32 $0x1B8E;
	s24 =	sld [smem:$0x3FFE];
	[sflag:s23] =	ssyncadd.s32 $0xFFFFFFFF  }
0xa6: {  	s26 =	simm.s32 $execute0_lowered;
	[smem:$0x3FD2] =	sst s25  }
0xa7: {  	s6 =	sshll.u32 s26, $0x1;
	_ =	strace $0x80000046;
	[dreg:$0x1] =	wrdreg $0xFFFFFFFF  }
0xa8: {  	s28 =	simm.s32 $_size_execute0_lowered;
	s4 =	sadd.s32 s4, s6;
	[dreg:$0x0] =	wrdreg $0x0  }
0xa9: {  	s6 =	sshll.u32 s28, $0x1;
	[dreg:$0x2] =	wrdreg s4  }
0xaa: {  	[dreg:$0x3] =	wrdreg s6  }
0xab: {  	[dreg:$0x4] =	wrdreg $0xC0  }
0xac: {  	_ =	task [dreg:s8], $0x5FFFF  }
0xad: {  	[dreg:$0x1] =	wrdreg $0xFFFFFFFF  }
0xae: {  	[dreg:$0x0] =	wrdreg $0x60  }
0xaf: {  	[dreg:$0x2] =	wrdreg s2  }
0xb0: {  	[dreg:$0x3] =	wrdreg s18  }
0xb1: {  	[dreg:$0x4] =	wrdreg s24  }
0xb2: {  	[dreg:$0x5] =	wrdreg $0x9  }
0xb3: {  	_ =	task.clear_ibuf [dreg:s8], $0x6FFFF;
	_ =	strace $0x90000046  }
0xb4: {  	s29 =	simm.s32 $0x9;
	_ =	strace $0x80000048  }
0xb5: {  	_ =	swait.ge [sflag:s29], $0x1  }
0xb6: {  	[sflag:s29] =	ssyncadd.s32 $0xFFFFFFFF  }
0xb7: {  	_ =	strace $0x90000048  }
0xb8: {  	_ =	sfence  }
0xb9: {  	s30 =	sld [smem:$0x0];
	_ =	sdelay $0x2  }
0xba: {  	s31 =	sshll.u32 s1, $0xD;
	s1 =	sshrl.u32 s1, $0x2  }
0xbb: {  	s3 =	sand.u32 $0x4000, s31;
	s1 =	sadd.s32 s1, s30  }
0xbc: {  	s0 =	sor.u32 s3, s0;
	s1 =	sshll.u32 s1, $0x11  }
0xbd: {  	s0 =	sor.u32 s1, s0  }
0xbe: {  	s0 =	sadd.s32 $0x8F2B, s0  }
0xbf: {  	[sflag:s0] =	ssyncadd.remote.s32 $0x1  }
0xc0: {  	_ =	sfence.sel $0xFFFF  }
0xc1: {  	[dreg:$0x0] =	wrdreg $0xFFFFFFFF;
	(pc) =	sbr.abs _section_cstart, $3  }
0xc2: {  	[dreg:$0x1] =	wrdreg $0xFFFFFFFF  }
0xc3: {  	_ =	task.clear_ibuf [dreg:s8], $0x2FFFF;
	_ =	strace $0x9FFFFFFF  }
0xc4: {  	(tm) =	ssettm $0x7FFFFFFF  }
0xc5: {  	_ =	shalt  }
tec
execute0_lowered:
.L_overlay_start_1:
0x0: {  	(tag) =	ssettag $0x1  }
0x1: {  	s1 =	srdreg.scid  }
0x2: {  	s0 =	rddreg [dreg:$0x0];
	s3 =	stileid.u32;
	s1 =	sand.u32 $0x1, s1  }
0x3: {  	s2 =	rddreg [dreg:$0x1];
	s3 =	sshll.u32 s3, $0x7;
	s4 =	sshll.u32 s1, $0x6  }
0x4: {  	s5 =	rddreg [dreg:$0x2];
	s6 =	simm.s32 $0x0;
	s3 =	sor.u32 s4, s3  }
0x5: {  	[smem:$0x7FF] =	sst s6;
	s4 =	sadd.s32 s3, s5;
	s0 =	sadd.s32 s0, s3  }
0x6: {  	_ =	strace $0x80000047;
	[dreg:$0x4] =	wrdreg s0;
	s10 =	sadd.s32 $0x1EA00, s4  }
0x7: {  	s11 =	sadd.s32 $0x1F200, s4;
	[dreg:$0x5] =	wrdreg s10  }
0x8: {  	s12 =	sadd.s32 $0x1FA00, s4;
	[dreg:$0x6] =	wrdreg s11  }
0x9: {  	s13 =	sadd.s32 $0x20200, s4;
	[dreg:$0x7] =	wrdreg s12  }
0xa: {  	s14 =	sadd.s32 $0x20A00, s4;
	[dreg:$0x8] =	wrdreg s13  }
0xb: {  	s15 =	sadd.s32 $0x21200, s4;
	[dreg:$0x9] =	wrdreg s14  }
0xc: {  	s16 =	sadd.s32 $0x21A00, s4;
	[dreg:$0xa] =	wrdreg s15  }
0xd: {  	s17 =	sadd.s32 $0x22200, s4;
	[dreg:$0xb] =	wrdreg s16  }
0xe: {  	s18 =	sadd.s32 $0x22A00, s4;
	[dreg:$0xc] =	wrdreg s17  }
0xf: {  	s19 =	sadd.s32 $0x23200, s4;
	[dreg:$0xd] =	wrdreg s18  }
0x10: {  	s20 =	sadd.s32 $0x23A00, s4;
	[dreg:$0xe] =	wrdreg s19  }
0x11: {  	s28 =	simm.s32 $0x7A1400;
	s21 =	sadd.s32 $0x24200, s4;
	[dreg:$0xf] =	wrdreg s20  }
0x12: {  	s31 =	simm.s32 $0x4200;
	s22 =	sadd.s32 $0x24A00, s4;
	[dreg:$0x10] =	wrdreg s21  }
0x13: {  	s29 =	simm.s32 $0x5200;
	s23 =	sadd.s32 $0x25200, s4;
	[dreg:$0x11] =	wrdreg s22  }
0x14: {  	s1 =	ssub.s32 $0x2, s1;
	s24 =	sadd.s32 $0x25A00, s4;
	[dreg:$0x12] =	wrdreg s23  }
0x15: {  	s9 =	sshrl.u32 s1, $0x1;
	s25 =	sadd.s32 $0x26200, s4;
	[dreg:$0x13] =	wrdreg s24  }
0x16: {  	s1 =	ssub.s32 s1, s9;
	s26 =	sadd.s32 $0x26A00, s4;
	[dreg:$0x14] =	wrdreg s25  }
0x17: {  	s5 =	simm.s32 $0x0;
	s30 =	smax.u32 s1, $0x1;
	[dreg:$0x15] =	wrdreg s26  }
0x18: {  	s4 =	simm.s32 $0xA200;
	s1 =	simm.s32 $0x400;
	[dreg:$0x16] =	wrdreg s30  }
0x19: {  	s11 =	simm.s32 $0x200;
	s10 =	simm.s32 $0xA00;
	s12 =	simm.s32 $0x1200  }
0x1a: {  	v1 =	vlaneseq.u32;
	s13 =	simm.s32 $0x1A00;
	s14 =	simm.s32 $0x2200;
	s26 =	simm.s32 $0x2A00  }
0x1b: {  	v0 =	vmul.u32 $0x80, v1;
	v1 =	vmul.u32 $0x200, v1;
	s15 =	simm.s32 $0x5A00;
	s16 =	simm.s32 $0x1;
	s17 =	simm.s32 $0x8200  }
.LBB2_1:
0x1c: {  	[dreg:$0x17] =	wrdreg s5  }
0x1d: {  	s0 =	rddreg [dreg:$0x4];
	s3 =	simm.s32 $0x4  }
0x1e: {  	[tilespmem:s6], [sflag:$0x4] =	stream.linear.gather [hbm4b:s0+s6], $0x200, $0x38;
	[tilespmem:$0xA400] =	vst v63  }
0x1f: {  	_ =	swait.ge [sflag:s3], $0x200  }
0x20: {  	[sflag:s3] =	ssyncset.done $0x0  }
0x21: {  	[sflag:s3] =	ssyncadd.s32 $0xFFFFFE00  }
0x22: {  	s3 =	simm.s32 $0x80;
	s0 =	rddreg [dreg:$0x2]  }
0x23: {  	[tilespmem:s4], [sflag:$0x2] =	stream.indirect.gather [hbm4b:s0+s3], $0x1, s6, s3, $0xb8;
	[tilespmem:$0xA400] =	vst v63  }
0x24: {  	s5 =	simm.s32 $0xA280  }
0x25: {  	[tilespmem:s5], [sflag:$0x2] =	stream.indirect.gather [hbm4b:s0+s3], $0x1, s3, s3, $0xb8;
	[tilespmem:$0xA400] =	vst v63  }
0x26: {  	s7 =	simm.s32 $0x100;
	s8 =	simm.s32 $0xA300  }
0x27: {  	[tilespmem:s8], [sflag:$0x2] =	stream.indirect.gather [hbm4b:s0+s3], $0x1, s7, s3, $0xb8;
	[tilespmem:$0xA400] =	vst v63  }
0x28: {  	s9 =	simm.s32 $0x180;
	s18 =	simm.s32 $0xA380  }
0x29: {  	[tilespmem:s18], [sflag:$0x2] =	stream.indirect.gather [hbm4b:s0+s3], $0x1, s9, s3, $0xb8;
	[tilespmem:$0xA400] =	vst v63  }
0x2a: {  	v2 =	vld [tilespmem:s6+$0x0];
	_ =	sdelay $0x4  }
0x2b: {  	(v2sf) =	vpush v2, $0x0  }
0x2c: {  	(v2sf) =	vpush v2, $0x1  }
0x2d: {  	(v2sf) =	vpush v2, $0x2;
	_ =	sdelay $0x1  }
0x2e: {  	(v2sf) =	vpush v2, $0x3  }
0x2f: {  	(v2sf) =	vpush v2, $0x4;
	_ =	sdelay $0x1  }
0x30: {  	(v2sf) =	vpush v2, $0x5;
	_ =	sdelay $0x1  }
0x31: {  	(v2sf) =	vpush v2, $0x6;
	_ =	sdelay $0x3  }
0x32: {  	(v2sf) =	vpush v2, $0x7;
	_ =	sdelay $0x1  }
0x33: {  	(v2sf) =	vpush v2, $0x8;
	s25 =	spop (v2sf)  }
0x34: {  	s30 =	simm.s32 $0x6200;
	s19 =	sand.u32 $0xFFFFF80, s25;
	s24 =	spop (v2sf)  }
0x35: {  	(v2sf) =	vpush v2, $0x9;
	s0 =	sadd.s32 s2, s19;
	s20 =	sand.u32 $0xFFFFF80, s24;
	s9 =	spop (v2sf)  }
0x36: {  	[tilespmem:s11], [sflag:$0x1] =	stream.strided.gather [hbm4b:s0+s1], $0x800, s28, s1, $0x38;
	[tilespmem:$0xA400] =	vst v63  }
0x37: {  	(v2sf) =	vpush v2, $0xA;
	s21 =	sadd.s32 s2, s20;
	s22 =	sand.u32 $0xFFFFF80, s9;
	s23 =	spop (v2sf)  }
0x38: {  	s5 =	sadd.s32 s2, s22;
	s6 =	sand.u32 $0xFFFFF80, s23;
	s22 =	spop (v2sf)  }
0x39: {  	(v2sf) =	vpush v2, $0xB;
	[tilespmem:s10], [sflag:$0x1] =	stream.strided.gather [hbm4b:s21+s1], $0x800, s28, s1, $0x38;
	[tilespmem:$0xA400] =	vst v63  }
0x3a: {  	s4 =	simm.s32 $0x3A00;
	s7 =	sadd.s32 s2, s6;
	s20 =	spop (v2sf)  }
0x3b: {  	(v2sf) =	vpush v2, $0xC;
	[tilespmem:s12], [sflag:$0x1] =	stream.strided.gather [hbm4b:s5+s1], $0x800, s28, s1, $0x38;
	[tilespmem:$0xA400] =	vst v63  }
0x3c: {  	s8 =	sand.u32 $0xFFFFF80, s22;
	s19 =	sand.u32 $0xFFFFF80, s20;
	s21 =	spop (v2sf)  }
0x3d: {  	(v2sf) =	vpush v2, $0xD;
	[tilespmem:s13], [sflag:$0x1] =	stream.strided.gather [hbm4b:s7+s1], $0x800, s28, s1, $0x38;
	[tilespmem:$0xA400] =	vst v63  }
0x3e: {  	s18 =	sadd.s32 s2, s8;
	s3 =	sadd.s32 s2, s19;
	s5 =	sand.u32 $0xFFFFF80, s21  }
0x3f: {  	(v2sf) =	vpush v2, $0xE;
	[tilespmem:s14], [sflag:$0x1] =	stream.strided.gather [hbm4b:s18+s1], $0x800, s28, s1, $0x38;
	[tilespmem:$0xA400] =	vst v63  }
0x40: {  	s19 =	spop (v2sf);
	s6 =	sadd.s32 s2, s5;
	s5 =	simm.s32 $0x4A00  }
0x41: {  	[tilespmem:s26], [sflag:$0x1] =	stream.strided.gather [hbm4b:s3+s1], $0x800, s28, s1, $0x38;
	[tilespmem:$0xA400] =	vst v63  }
0x42: {  	s8 =	spop (v2sf);
	s7 =	sand.u32 $0xFFFFF80, s19;
	s18 =	simm.s32 $0x3200  }
0x43: {  	(v2sf) =	vpush v2, $0xF;
	[tilespmem:s18], [sflag:$0x1] =	stream.strided.gather [hbm4b:s6+s1], $0x800, s28, s1, $0x38;
	[tilespmem:$0xA400] =	vst v63  }
0x44: {  	s6 =	sadd.s32 s2, s7;
	s7 =	sand.u32 $0xFFFFF80, s8;
	s18 =	spop (v2sf)  }
0x45: {  	[tilespmem:s4], [sflag:$0x1] =	stream.strided.gather [hbm4b:s6+s1], $0x800, s28, s1, $0x38;
	[tilespmem:$0xA400] =	vst v63  }
0x46: {  	s4 =	sadd.s32 s2, s7;
	s6 =	sand.u32 $0xFFFFF80, s18;
	s7 =	spop (v2sf)  }
0x47: {  	[tilespmem:s31], [sflag:$0x1] =	stream.strided.gather [hbm4b:s4+s1], $0x800, s28, s1, $0x38;
	[tilespmem:$0xA400] =	vst v63  }
0x48: {  	s3 =	sadd.s32 s2, s6;
	s6 =	spop (v2sf);
	s4 =	sand.u32 $0xFFFFF80, s7  }
0x49: {  	[tilespmem:s5], [sflag:$0x1] =	stream.strided.gather [hbm4b:s3+s1], $0x800, s28, s1, $0x38;
	[tilespmem:$0xA400] =	vst v63  }
0x4a: {  	s3 =	sadd.s32 s2, s4;
	s4 =	sand.u32 $0xFFFFF80, s6;
	s5 =	spop (v2sf)  }
0x4b: {  	[tilespmem:s29], [sflag:$0x1] =	stream.strided.gather [hbm4b:s3+s1], $0x800, s28, s1, $0x38;
	[tilespmem:$0xA400] =	vst v63  }
0x4c: {  	s3 =	sadd.s32 s2, s4;
	s29 =	sand.u32 $0xFFFFF80, s5;
	s4 =	spop (v2sf)  }
0x4d: {  	[tilespmem:s15], [sflag:$0x1] =	stream.strided.gather [hbm4b:s3+s1], $0x800, s28, s1, $0x38;
	[tilespmem:$0xA400] =	vst v63  }
0x4e: {  	s0 =	spop (v2sf);
	s3 =	sadd.s32 s2, s29;
	s29 =	sand.u32 $0xFFFFF80, s4  }
0x4f: {  	[tilespmem:s30], [sflag:$0x1] =	stream.strided.gather [hbm4b:s3+s1], $0x800, s28, s1, $0x38;
	[tilespmem:$0xA400] =	vst v63  }
0x50: {  	s3 =	sadd.s32 s2, s29;
	s29 =	sand.u32 $0xFFFFF80, s0;
	s30 =	simm.s32 $0x6A00  }
0x51: {  	[tilespmem:s30], [sflag:$0x1] =	stream.strided.gather [hbm4b:s3+s1], $0x800, s28, s1, $0x38;
	[tilespmem:$0xA400] =	vst v63  }
0x52: {  	s29 =	sadd.s32 s2, s29;
	s3 =	spop (v2sf);
	s30 =	simm.s32 $0x7200  }
0x53: {  	[tilespmem:s30], [sflag:$0x1] =	stream.strided.gather [hbm4b:s29+s1], $0x800, s28, s1, $0x38;
	[tilespmem:$0xA400] =	vst v63  }
0x54: {  	s29 =	sand.u32 $0xFFFFF80, s3  }
0x55: {  	s30 =	simm.s32 $0x7A00;
	s29 =	sadd.s32 s2, s29  }
0x56: {  	[tilespmem:s30], [sflag:$0x1] =	stream.strided.gather [hbm4b:s29+s1], $0x800, s28, s1, $0x38;
	[tilespmem:$0xA400] =	vst v63  }
0x57: {  	_ =	swait.ge [sflag:s16], $0x800  }
0x58: {  	[sflag:s16] =	ssyncset.done $0x0  }
0x59: {  	[sflag:s16] =	ssyncadd.s32 $0xFFFFF800  }
0x5a: {  	_ =	swait.ge [sflag:s16], $0x800  }
0x5b: {  	[sflag:s16] =	ssyncset.done $0x0  }
0x5c: {  	[sflag:s16] =	ssyncadd.s32 $0xFFFFF800  }
0x5d: {  	_ =	swait.ge [sflag:s16], $0x800  }
0x5e: {  	[sflag:s16] =	ssyncset.done $0x0  }
0x5f: {  	[sflag:s16] =	ssyncadd.s32 $0xFFFFF800  }
0x60: {  	_ =	swait.ge [sflag:s16], $0x800  }
0x61: {  	[sflag:s16] =	ssyncset.done $0x0  }
0x62: {  	[sflag:s16] =	ssyncadd.s32 $0xFFFFF800  }
0x63: {  	_ =	swait.ge [sflag:s16], $0x800  }
0x64: {  	[sflag:s16] =	ssyncset.done $0x0  }
0x65: {  	[sflag:s16] =	ssyncadd.s32 $0xFFFFF800  }
0x66: {  	_ =	swait.ge [sflag:s16], $0x800  }
0x67: {  	[sflag:s16] =	ssyncset.done $0x0  }
0x68: {  	[sflag:s16] =	ssyncadd.s32 $0xFFFFF800  }
0x69: {  	_ =	swait.ge [sflag:s16], $0x800  }
0x6a: {  	[sflag:s16] =	ssyncset.done $0x0  }
0x6b: {  	[sflag:s16] =	ssyncadd.s32 $0xFFFFF800  }
0x6c: {  	_ =	swait.ge [sflag:s16], $0x800  }
0x6d: {  	[sflag:s16] =	ssyncset.done $0x0  }
0x6e: {  	[sflag:s16] =	ssyncadd.s32 $0xFFFFF800  }
0x6f: {  	_ =	swait.ge [sflag:s16], $0x800  }
0x70: {  	[sflag:s16] =	ssyncset.done $0x0  }
0x71: {  	[sflag:s16] =	ssyncadd.s32 $0xFFFFF800  }
0x72: {  	_ =	swait.ge [sflag:s16], $0x800  }
0x73: {  	[sflag:s16] =	ssyncset.done $0x0  }
0x74: {  	[sflag:s16] =	ssyncadd.s32 $0xFFFFF800  }
0x75: {  	_ =	swait.ge [sflag:s16], $0x800  }
0x76: {  	[sflag:s16] =	ssyncset.done $0x0  }
0x77: {  	[sflag:s16] =	ssyncadd.s32 $0xFFFFF800  }
0x78: {  	_ =	swait.ge [sflag:s16], $0x800  }
0x79: {  	[sflag:s16] =	ssyncset.done $0x0  }
0x7a: {  	[sflag:s16] =	ssyncadd.s32 $0xFFFFF800  }
0x7b: {  	_ =	swait.ge [sflag:s16], $0x800  }
0x7c: {  	[sflag:s16] =	ssyncset.done $0x0  }
0x7d: {  	[sflag:s16] =	ssyncadd.s32 $0xFFFFF800  }
0x7e: {  	_ =	swait.ge [sflag:s16], $0x800  }
0x7f: {  	[sflag:s16] =	ssyncset.done $0x0  }
0x80: {  	[sflag:s16] =	ssyncadd.s32 $0xFFFFF800  }
0x81: {  	s25 =	sand.u32 $0x7F, s25;
	_ =	swait.ge [sflag:s16], $0x800  }
0x82: {  	v2 =	vor.u32 s25, v0;
	[sflag:s16] =	ssyncset.done $0x0  }
0x83: {  	[sflag:s16] =	ssyncadd.s32 $0xFFFFF800  }
0x84: {  	_ =	swait.ge [sflag:s16], $0x800  }
0x85: {  	[sflag:s16] =	ssyncset.done $0x0  }
0x86: {  	s25 =	simm.s32 $0x0;
	[sflag:s16] =	ssyncadd.s32 $0xFFFFF800  }
0x87: {  	s24 =	sand.u32 $0x7F, s24;
	v3 =	vor.u32 s25, v1;
	v2 =	vld.idx.msk [tilespmem:v2+s11+$0x0], $0xffff  }
0x88: {  	v4 =	vor.u32 s24, v0;
	_ =	sdelay $0x3  }
0x89: {  	s25 =	simm.s32 $0x1;
	[tilespmem:v3+s17+$0x0] =	vst.idx.msk $0xffff, v2  }
0x8a: {  	s9 =	sand.u32 $0x7F, s9;
	v2 =	vor.u32 s25, v1;
	v3 =	vld.idx.msk [tilespmem:v4+s10+$0x0], $0xffff  }
0x8b: {  	v4 =	vor.u32 s9, v0;
	_ =	sdelay $0x3  }
0x8c: {  	s24 =	simm.s32 $0x2;
	[tilespmem:v2+s17+$0x0] =	vst.idx.msk $0xffff, v3  }
0x8d: {  	s25 =	sand.u32 $0x7F, s23;
	v2 =	vor.u32 s24, v1;
	v3 =	vld.idx.msk [tilespmem:v4+s12+$0x0], $0xffff  }
0x8e: {  	v4 =	vor.u32 s25, v0;
	_ =	sdelay $0x3  }
0x8f: {  	s23 =	simm.s32 $0x3;
	[tilespmem:v2+s17+$0x0] =	vst.idx.msk $0xffff, v3  }
0x90: {  	s24 =	sand.u32 $0x7F, s22;
	v2 =	vor.u32 s23, v1;
	v3 =	vld.idx.msk [tilespmem:v4+s13+$0x0], $0xffff  }
0x91: {  	v4 =	vor.u32 s24, v0;
	_ =	sdelay $0x3  }
0x92: {  	s25 =	simm.s32 $0x4;
	[tilespmem:v2+s17+$0x0] =	vst.idx.msk $0xffff, v3  }
0x93: {  	s20 =	sand.u32 $0x7F, s20;
	v2 =	vor.u32 s25, v1;
	v3 =	vld.idx.msk [tilespmem:v4+s14+$0x0], $0xffff  }
0x94: {  	v4 =	vor.u32 s20, v0;
	_ =	sdelay $0x3  }
0x95: {  	s22 =	simm.s32 $0x5;
	[tilespmem:v2+s17+$0x0] =	vst.idx.msk $0xffff, v3  }
0x96: {  	s23 =	sand.u32 $0x7F, s21;
	v2 =	vor.u32 s22, v1;
	v3 =	vld.idx.msk [tilespmem:v4+s26+$0x0], $0xffff  }
0x97: {  	v4 =	vor.u32 s23, v0;
	_ =	sdelay $0x3  }
0x98: {  	s24 =	simm.s32 $0x6;
	s20 =	simm.s32 $0x3200;
	[tilespmem:v2+s17+$0x0] =	vst.idx.msk $0xffff, v3  }
0x99: {  	s25 =	sand.u32 $0x7F, s19;
	v2 =	vor.u32 s24, v1;
	v3 =	vld.idx.msk [tilespmem:v4+s20+$0x0], $0xffff  }
0x9a: {  	v4 =	vor.u32 s25, v0;
	_ =	sdelay $0x3  }
0x9b: {  	s9 =	simm.s32 $0x3A00;
	s21 =	simm.s32 $0x7;
	[tilespmem:v2+s17+$0x0] =	vst.idx.msk $0xffff, v3  }
0x9c: {  	s8 =	sand.u32 $0x7F, s8;
	v2 =	vor.u32 s21, v1;
	v3 =	vld.idx.msk [tilespmem:v4+s9+$0x0], $0xffff  }
0x9d: {  	v4 =	vor.u32 s8, v0;
	_ =	sdelay $0x3  }
0x9e: {  	s22 =	simm.s32 $0x8;
	[tilespmem:v2+s17+$0x0] =	vst.idx.msk $0xffff, v3  }
0x9f: {  	s23 =	sand.u32 $0x7F, s18;
	v2 =	vor.u32 s22, v1;
	v3 =	vld.idx.msk [tilespmem:v4+s31+$0x0], $0xffff  }
0xa0: {  	v4 =	vor.u32 s23, v0;
	_ =	sdelay $0x3  }
0xa1: {  	s30 =	simm.s32 $0x4A00;
	s24 =	simm.s32 $0x9;
	[tilespmem:v2+s17+$0x0] =	vst.idx.msk $0xffff, v3  }
0xa2: {  	s7 =	sand.u32 $0x7F, s7;
	v2 =	vor.u32 s24, v1;
	v3 =	vld.idx.msk [tilespmem:v4+s30+$0x0], $0xffff  }
0xa3: {  	v4 =	vor.u32 s7, v0;
	_ =	sdelay $0x3  }
0xa4: {  	s29 =	simm.s32 $0x5200;
	s25 =	simm.s32 $0xA;
	[tilespmem:v2+s17+$0x0] =	vst.idx.msk $0xffff, v3  }
0xa5: {  	s6 =	sand.u32 $0x7F, s6;
	v2 =	vor.u32 s25, v1;
	v3 =	vld.idx.msk [tilespmem:v4+s29+$0x0], $0xffff  }
0xa6: {  	v4 =	vor.u32 s6, v0;
	_ =	sdelay $0x3  }
0xa7: {  	s18 =	simm.s32 $0xB;
	[tilespmem:v2+s17+$0x0] =	vst.idx.msk $0xffff, v3  }
0xa8: {  	s5 =	sand.u32 $0x7F, s5;
	v2 =	vor.u32 s18, v1;
	v3 =	vld.idx.msk [tilespmem:v4+s15+$0x0], $0xffff  }
0xa9: {  	v4 =	vor.u32 s5, v0;
	_ =	sdelay $0x3  }
0xaa: {  	s19 =	simm.s32 $0xC;
	s20 =	simm.s32 $0x6200;
	[tilespmem:v2+s17+$0x0] =	vst.idx.msk $0xffff, v3  }
0xab: {  	s4 =	sand.u32 $0x7F, s4;
	v2 =	vor.u32 s19, v1;
	v3 =	vld.idx.msk [tilespmem:v4+s20+$0x0], $0xffff  }
0xac: {  	v4 =	vor.u32 s4, v0;
	_ =	sdelay $0x3  }
0xad: {  	s21 =	simm.s32 $0xD;
	s22 =	simm.s32 $0x6A00;
	[tilespmem:v2+s17+$0x0] =	vst.idx.msk $0xffff, v3  }
0xae: {  	s0 =	sand.u32 $0x7F, s0;
	v2 =	vor.u32 s21, v1;
	v3 =	vld.idx.msk [tilespmem:v4+s22+$0x0], $0xffff  }
0xaf: {  	v4 =	vor.u32 s0, v0;
	_ =	sdelay $0x3  }
0xb0: {  	s23 =	simm.s32 $0xE;
	s24 =	simm.s32 $0x7200;
	[tilespmem:v2+s17+$0x0] =	vst.idx.msk $0xffff, v3  }
0xb1: {  	s3 =	sand.u32 $0x7F, s3;
	v3 =	vor.u32 s23, v1;
	v2 =	vld.idx.msk [tilespmem:v4+s24+$0x0], $0xffff  }
0xb2: {  	v4 =	vor.u32 s3, v0;
	_ =	sdelay $0x3  }
0xb3: {  	s25 =	simm.s32 $0xF;
	s29 =	simm.s32 $0x7A00;
	[tilespmem:v3+s17+$0x0] =	vst.idx.msk $0xffff, v2  }
0xb4: {  	s8 =	simm.s32 $0x3200;
	s21 =	simm.s32 $0x1F;
	s22 =	simm.s32 $0x0;
	v3 =	vor.u32 s25, v1;
	v2 =	vld.idx.msk [tilespmem:v4+s29+$0x0], $0xffff  }
.LBB2_2:
0xb5: {  	_ =	sdelay $0x2  }
0xb6: {  	p0 =	sne.s32 s21, $0x1FF  }
0xb7: {  	s22 =	sadd.s32 $0x10, s22;
	s23 =	smov.u32 s21;
	s21 =	sadd.s32 $0x10, s21;
	[tilespmem:v3+s17+$0x0] =	vst.idx.msk $0xffff, v2  }
0xb8: {  	v2 =	vld [tilespmem:s22+$0x0];
	_ =	sdelay $0x4  }
0xb9: {  	(v2sf) =	vpush v2, $0x0  }
0xba: {  	(v2sf) =	vpush v2, $0x1  }
0xbb: {  	(v2sf) =	vpush v2, $0x2;
	_ =	sdelay $0x1  }
0xbc: {  	(v2sf) =	vpush v2, $0x3;
	_ =	sdelay $0x1  }
0xbd: {  	(v2sf) =	vpush v2, $0x4;
	_ =	sdelay $0x1  }
0xbe: {  	(v2sf) =	vpush v2, $0x5;
	_ =	sdelay $0x1  }
0xbf: {  	(v2sf) =	vpush v2, $0x6;
	_ =	sdelay $0x1  }
0xc0: {  	(v2sf) =	vpush v2, $0x7;
	_ =	sdelay $0x1  }
0xc1: {  	(v2sf) =	vpush v2, $0x8  }
0xc2: {  	s15 =	simm.s32 $0x5200;
	s0 =	spop (v2sf)  }
0xc3: {  	s3 =	sand.u32 $0xFFFFF80, s0;
	s29 =	sand.u32 $0x7F, s0;
	s0 =	spop (v2sf);
	(v2sf) =	vpush v2, $0x9  }
0xc4: {  	s4 =	sadd.s32 s2, s3;
	s5 =	sand.u32 $0xFFFFF80, s0;
	s3 =	spop (v2sf)  }
0xc5: {  	[tilespmem:s11], [sflag:$0x1] =	stream.strided.gather [hbm4b:s4+s1], $0x800, s28, s1, $0x38;
	(v2sf) =	vpush v2, $0xA;
	[tilespmem:$0xA400] =	vst v63  }
0xc6: {  	s5 =	sadd.s32 s2, s5;
	s6 =	sand.u32 $0xFFFFF80, s3;
	s4 =	spop (v2sf)  }
0xc7: {  	[tilespmem:s10], [sflag:$0x1] =	stream.strided.gather [hbm4b:s5+s1], $0x800, s28, s1, $0x38;
	(v2sf) =	vpush v2, $0xB;
	[tilespmem:$0xA400] =	vst v63  }
0xc8: {  	s6 =	sadd.s32 s2, s6;
	s7 =	sand.u32 $0xFFFFF80, s4;
	s5 =	spop (v2sf)  }
0xc9: {  	[tilespmem:s12], [sflag:$0x1] =	stream.strided.gather [hbm4b:s6+s1], $0x800, s28, s1, $0x38;
	(v2sf) =	vpush v2, $0xC;
	[tilespmem:$0xA400] =	vst v63  }
0xca: {  	s6 =	sadd.s32 s2, s7;
	s7 =	sand.u32 $0xFFFFF80, s5;
	s18 =	spop (v2sf)  }
0xcb: {  	[tilespmem:s13], [sflag:$0x1] =	stream.strided.gather [hbm4b:s6+s1], $0x800, s28, s1, $0x38;
	(v2sf) =	vpush v2, $0xD;
	[tilespmem:$0xA400] =	vst v63  }
0xcc: {  	s6 =	sadd.s32 s2, s7;
	s7 =	sand.u32 $0xFFFFF80, s18;
	s19 =	spop (v2sf)  }
0xcd: {  	[tilespmem:s14], [sflag:$0x1] =	stream.strided.gather [hbm4b:s6+s1], $0x800, s28, s1, $0x38;
	(v2sf) =	vpush v2, $0xE;
	[tilespmem:$0xA400] =	vst v63  }
0xce: {  	s6 =	sadd.s32 s2, s7;
	s7 =	sand.u32 $0xFFFFF80, s19;
	s20 =	spop (v2sf)  }
0xcf: {  	[tilespmem:s26], [sflag:$0x1] =	stream.strided.gather [hbm4b:s6+s1], $0x800, s28, s1, $0x38;
	(v2sf) =	vpush v2, $0xF;
	[tilespmem:$0xA400] =	vst v63  }
0xd0: {  	s6 =	sadd.s32 s2, s7;
	s7 =	sand.u32 $0xFFFFF80, s20;
	s24 =	spop (v2sf)  }
0xd1: {  	[tilespmem:s8], [sflag:$0x1] =	stream.strided.gather [hbm4b:s6+s1], $0x800, s28, s1, $0x38;
	[tilespmem:$0xA400] =	vst v63  }
0xd2: {  	s6 =	sadd.s32 s2, s7;
	s7 =	sand.u32 $0xFFFFF80, s24;
	s25 =	spop (v2sf)  }
0xd3: {  	[tilespmem:s9], [sflag:$0x1] =	stream.strided.gather [hbm4b:s6+s1], $0x800, s28, s1, $0x38;
	[tilespmem:$0xA400] =	vst v63  }
0xd4: {  	s8 =	simm.s32 $0x6200;
	s6 =	sadd.s32 s2, s7;
	s7 =	sand.u32 $0xFFFFF80, s25  }
0xd5: {  	s9 =	sand.u32 $0x7F, s0;
	s0 =	simm.s32 $0x7200;
	s10 =	spop (v2sf)  }
0xd6: {  	[tilespmem:s31], [sflag:$0x1] =	stream.strided.gather [hbm4b:s6+s1], $0x800, s28, s1, $0x38;
	[tilespmem:$0xA400] =	vst v63  }
0xd7: {  	s6 =	sadd.s32 s2, s7;
	s7 =	sand.u32 $0xFFFFF80, s10;
	s11 =	spop (v2sf)  }
0xd8: {  	[tilespmem:s30], [sflag:$0x1] =	stream.strided.gather [hbm4b:s6+s1], $0x800, s28, s1, $0x38;
	[tilespmem:$0xA400] =	vst v63  }
0xd9: {  	s6 =	sadd.s32 s2, s7;
	s7 =	sand.u32 $0xFFFFF80, s11;
	s12 =	spop (v2sf)  }
0xda: {  	[tilespmem:s15], [sflag:$0x1] =	stream.strided.gather [hbm4b:s6+s1], $0x800, s28, s1, $0x38;
	[tilespmem:$0xA400] =	vst v63  }
0xdb: {  	s31 =	sand.u32 $0x7F, s24;
	s30 =	sand.u32 $0x7F, s25;
	s15 =	simm.s32 $0x5A00  }
0xdc: {  	s6 =	sadd.s32 s2, s7;
	s7 =	sand.u32 $0xFFFFF80, s12;
	s13 =	spop (v2sf)  }
0xdd: {  	[tilespmem:s15], [sflag:$0x1] =	stream.strided.gather [hbm4b:s6+s1], $0x800, s28, s1, $0x38;
	[tilespmem:$0xA400] =	vst v63  }
0xde: {  	s6 =	sadd.s32 s2, s7;
	s7 =	sand.u32 $0xFFFFF80, s13;
	s26 =	spop (v2sf)  }
0xdf: {  	[tilespmem:s8], [sflag:$0x1] =	stream.strided.gather [hbm4b:s6+s1], $0x800, s28, s1, $0x38;
	[tilespmem:$0xA400] =	vst v63  }
0xe0: {  	s25 =	sand.u32 $0x7F, s13;
	s13 =	simm.s32 $0x1A00;
	s6 =	sadd.s32 s2, s7  }
0xe1: {  	s7 =	sand.u32 $0xFFFFF80, s26;
	s8 =	simm.s32 $0x6A00;
	s14 =	spop (v2sf)  }
0xe2: {  	[tilespmem:s8], [sflag:$0x1] =	stream.strided.gather [hbm4b:s6+s1], $0x800, s28, s1, $0x38;
	[tilespmem:$0xA400] =	vst v63  }
0xe3: {  	s6 =	sadd.s32 s2, s7;
	s7 =	sand.u32 $0xFFFFF80, s14;
	s8 =	sand.u32 $0x7F, s3  }
0xe4: {  	[tilespmem:s0], [sflag:$0x1] =	stream.strided.gather [hbm4b:s6+s1], $0x800, s28, s1, $0x38;
	[tilespmem:$0xA400] =	vst v63  }
0xe5: {  	s3 =	simm.s32 $0x7A00;
	s0 =	sadd.s32 s2, s7;
	s7 =	sand.u32 $0x7F, s4  }
0xe6: {  	[tilespmem:s3], [sflag:$0x1] =	stream.strided.gather [hbm4b:s0+s1], $0x800, s28, s1, $0x38;
	[tilespmem:$0xA400] =	vst v63  }
0xe7: {  	s6 =	sand.u32 $0x7F, s5;
	s5 =	sand.u32 $0x7F, s19;
	_ =	swait.ge [sflag:s16], $0x800  }
0xe8: {  	s19 =	sand.u32 $0x7F, s10;
	s0 =	sand.u32 $0x7F, s20;
	[sflag:s16] =	ssyncset.done $0x0  }
0xe9: {  	s4 =	sand.u32 $0x7F, s11;
	s11 =	simm.s32 $0x200;
	[sflag:s16] =	ssyncadd.s32 $0xFFFFF800  }
0xea: {  	s20 =	sand.u32 $0x7F, s12;
	s12 =	simm.s32 $0x1200;
	_ =	swait.ge [sflag:s16], $0x800  }
0xeb: {  	s3 =	sand.u32 $0x7F, s26;
	s26 =	simm.s32 $0x2A00;
	[sflag:s16] =	ssyncset.done $0x0  }
0xec: {  	s24 =	sand.u32 $0x7F, s14;
	s14 =	simm.s32 $0x2200;
	[sflag:s16] =	ssyncadd.s32 $0xFFFFF800  }
0xed: {  	_ =	swait.ge [sflag:s16], $0x800  }
0xee: {  	[sflag:s16] =	ssyncset.done $0x0  }
0xef: {  	[sflag:s16] =	ssyncadd.s32 $0xFFFFF800  }
0xf0: {  	_ =	swait.ge [sflag:s16], $0x800  }
0xf1: {  	[sflag:s16] =	ssyncset.done $0x0  }
0xf2: {  	[sflag:s16] =	ssyncadd.s32 $0xFFFFF800  }
0xf3: {  	_ =	swait.ge [sflag:s16], $0x800  }
0xf4: {  	[sflag:s16] =	ssyncset.done $0x0  }
0xf5: {  	[sflag:s16] =	ssyncadd.s32 $0xFFFFF800  }
0xf6: {  	_ =	swait.ge [sflag:s16], $0x800  }
0xf7: {  	[sflag:s16] =	ssyncset.done $0x0  }
0xf8: {  	[sflag:s16] =	ssyncadd.s32 $0xFFFFF800  }
0xf9: {  	_ =	swait.ge [sflag:s16], $0x800  }
0xfa: {  	[sflag:s16] =	ssyncset.done $0x0  }
0xfb: {  	[sflag:s16] =	ssyncadd.s32 $0xFFFFF800  }
0xfc: {  	_ =	swait.ge [sflag:s16], $0x800  }
0xfd: {  	[sflag:s16] =	ssyncset.done $0x0  }
0xfe: {  	[sflag:s16] =	ssyncadd.s32 $0xFFFFF800  }
0xff: {  	_ =	swait.ge [sflag:s16], $0x800  }
0x100: {  	[sflag:s16] =	ssyncset.done $0x0  }
0x101: {  	[sflag:s16] =	ssyncadd.s32 $0xFFFFF800  }
0x102: {  	_ =	swait.ge [sflag:s16], $0x800  }
0x103: {  	[sflag:s16] =	ssyncset.done $0x0  }
0x104: {  	[sflag:s16] =	ssyncadd.s32 $0xFFFFF800  }
0x105: {  	_ =	swait.ge [sflag:s16], $0x800  }
0x106: {  	[sflag:s16] =	ssyncset.done $0x0  }
0x107: {  	[sflag:s16] =	ssyncadd.s32 $0xFFFFF800  }
0x108: {  	_ =	swait.ge [sflag:s16], $0x800  }
0x109: {  	[sflag:s16] =	ssyncset.done $0x0  }
0x10a: {  	[sflag:s16] =	ssyncadd.s32 $0xFFFFF800  }
0x10b: {  	_ =	swait.ge [sflag:s16], $0x800  }
0x10c: {  	[sflag:s16] =	ssyncset.done $0x0  }
0x10d: {  	[sflag:s16] =	ssyncadd.s32 $0xFFFFF800  }
0x10e: {  	_ =	swait.ge [sflag:s16], $0x800  }
0x10f: {  	[sflag:s16] =	ssyncset.done $0x0  }
0x110: {  	[sflag:s16] =	ssyncadd.s32 $0xFFFFF800  }
0x111: {  	_ =	swait.ge [sflag:s16], $0x800  }
0x112: {  	v2 =	vor.u32 s29, v0;
	s29 =	simm.s32 $0x5200;
	[sflag:s16] =	ssyncset.done $0x0  }
0x113: {  	[sflag:s16] =	ssyncadd.s32 $0xFFFFF800  }
0x114: {  	_ =	swait.ge [sflag:s16], $0x800  }
0x115: {  	[sflag:s16] =	ssyncset.done $0x0  }
0x116: {  	[sflag:s16] =	ssyncadd.s32 $0xFFFFF800  }
0x117: {  	s10 =	sadd.s32 $0xFFFFFFF1, s23;
	v2 =	vld.idx.msk [tilespmem:v2+s11+$0x0], $0xffff  }
0x118: {  	v3 =	vor.u32 s10, v1;
	s10 =	simm.s32 $0xA00  }
0x119: {  	v4 =	vor.u32 s9, v0;
	_ =	sdelay $0x3  }
0x11a: {  	[tilespmem:v3+s17+$0x0] =	vst.idx.msk $0xffff, v2  }
0x11b: {  	s9 =	sadd.s32 $0xFFFFFFF2, s23;
	v2 =	vld.idx.msk [tilespmem:v4+s10+$0x0], $0xffff  }
0x11c: {  	v3 =	vor.u32 s9, v1;
	s9 =	simm.s32 $0x3A00  }
0x11d: {  	v4 =	vor.u32 s8, v0;
	_ =	sdelay $0x3  }
0x11e: {  	[tilespmem:v3+s17+$0x0] =	vst.idx.msk $0xffff, v2  }
0x11f: {  	s8 =	sadd.s32 $0xFFFFFFF3, s23;
	v2 =	vld.idx.msk [tilespmem:v4+s12+$0x0], $0xffff  }
0x120: {  	v3 =	vor.u32 s8, v1;
	s8 =	simm.s32 $0x3200  }
0x121: {  	v4 =	vor.u32 s7, v0;
	_ =	sdelay $0x3  }
0x122: {  	[tilespmem:v3+s17+$0x0] =	vst.idx.msk $0xffff, v2  }
0x123: {  	s7 =	sadd.s32 $0xFFFFFFF4, s23;
	v2 =	vld.idx.msk [tilespmem:v4+s13+$0x0], $0xffff  }
0x124: {  	v3 =	vor.u32 s7, v1  }
0x125: {  	v4 =	vor.u32 s6, v0;
	_ =	sdelay $0x3  }
0x126: {  	[tilespmem:v3+s17+$0x0] =	vst.idx.msk $0xffff, v2  }
0x127: {  	s6 =	sadd.s32 $0xFFFFFFF5, s23;
	v2 =	vld.idx.msk [tilespmem:v4+s14+$0x0], $0xffff  }
0x128: {  	v3 =	vor.u32 s6, v1;
	s6 =	sand.u32 $0x7F, s18  }
0x129: {  	v4 =	vor.u32 s6, v0;
	_ =	sdelay $0x3  }
0x12a: {  	[tilespmem:v3+s17+$0x0] =	vst.idx.msk $0xffff, v2  }
0x12b: {  	s6 =	sadd.s32 $0xFFFFFFF6, s23;
	v2 =	vld.idx.msk [tilespmem:v4+s26+$0x0], $0xffff  }
0x12c: {  	v3 =	vor.u32 s6, v1  }
0x12d: {  	v4 =	vor.u32 s5, v0;
	_ =	sdelay $0x3  }
0x12e: {  	[tilespmem:v3+s17+$0x0] =	vst.idx.msk $0xffff, v2  }
0x12f: {  	s5 =	sadd.s32 $0xFFFFFFF7, s23;
	v2 =	vld.idx.msk [tilespmem:v4+s8+$0x0], $0xffff  }
0x130: {  	v3 =	vor.u32 s5, v1  }
0x131: {  	v4 =	vor.u32 s0, v0;
	_ =	sdelay $0x3  }
0x132: {  	[tilespmem:v3+s17+$0x0] =	vst.idx.msk $0xffff, v2  }
0x133: {  	s0 =	sadd.s32 $0xFFFFFFF8, s23;
	v2 =	vld.idx.msk [tilespmem:v4+s9+$0x0], $0xffff  }
0x134: {  	v3 =	vor.u32 s0, v1  }
0x135: {  	v4 =	vor.u32 s31, v0;
	s31 =	simm.s32 $0x4200;
	_ =	sdelay $0x3  }
0x136: {  	[tilespmem:v3+s17+$0x0] =	vst.idx.msk $0xffff, v2  }
0x137: {  	s0 =	sadd.s32 $0xFFFFFFF9, s23;
	v2 =	vld.idx.msk [tilespmem:v4+s31+$0x0], $0xffff  }
0x138: {  	v3 =	vor.u32 s0, v1  }
0x139: {  	v4 =	vor.u32 s30, v0;
	s30 =	simm.s32 $0x4A00;
	_ =	sdelay $0x3  }
0x13a: {  	[tilespmem:v3+s17+$0x0] =	vst.idx.msk $0xffff, v2  }
0x13b: {  	s0 =	sadd.s32 $0xFFFFFFFA, s23;
	v2 =	vld.idx.msk [tilespmem:v4+s30+$0x0], $0xffff  }
0x13c: {  	v3 =	vor.u32 s0, v1  }
0x13d: {  	v4 =	vor.u32 s19, v0;
	_ =	sdelay $0x3  }
0x13e: {  	[tilespmem:v3+s17+$0x0] =	vst.idx.msk $0xffff, v2  }
0x13f: {  	s0 =	sadd.s32 $0xFFFFFFFB, s23;
	v2 =	vld.idx.msk [tilespmem:v4+s29+$0x0], $0xffff  }
0x140: {  	v3 =	vor.u32 s0, v1  }
0x141: {  	v4 =	vor.u32 s4, v0;
	_ =	sdelay $0x3  }
0x142: {  	[tilespmem:v3+s17+$0x0] =	vst.idx.msk $0xffff, v2  }
0x143: {  	s0 =	sadd.s32 $0xFFFFFFFC, s23;
	v2 =	vld.idx.msk [tilespmem:v4+s15+$0x0], $0xffff  }
0x144: {  	v3 =	vor.u32 s0, v1  }
0x145: {  	v4 =	vor.u32 s20, v0;
	_ =	sdelay $0x3  }
0x146: {  	s0 =	simm.s32 $0x6200;
	[tilespmem:v3+s17+$0x0] =	vst.idx.msk $0xffff, v2  }
0x147: {  	v2 =	vld.idx.msk [tilespmem:v4+s0+$0x0], $0xffff;
	s0 =	sadd.s32 $0xFFFFFFFD, s23  }
0x148: {  	v3 =	vor.u32 s0, v1  }
0x149: {  	v4 =	vor.u32 s25, v0;
	_ =	sdelay $0x3  }
0x14a: {  	s0 =	simm.s32 $0x6A00;
	[tilespmem:v3+s17+$0x0] =	vst.idx.msk $0xffff, v2  }
0x14b: {  	v2 =	vld.idx.msk [tilespmem:v4+s0+$0x0], $0xffff;
	s0 =	sadd.s32 $0xFFFFFFFE, s23  }
0x14c: {  	v3 =	vor.u32 s0, v1  }
0x14d: {  	v4 =	vor.u32 s3, v0;
	_ =	sdelay $0x3  }
0x14e: {  	s0 =	simm.s32 $0x7200;
	[tilespmem:v3+s17+$0x0] =	vst.idx.msk $0xffff, v2  }
0x14f: {  	v2 =	vld.idx.msk [tilespmem:v4+s0+$0x0], $0xffff;
	s0 =	sadd.s32 $0xFFFFFFFF, s23  }
0x150: {  	v3 =	vor.u32 s0, v1  }
0x151: {  	v4 =	vor.u32 s24, v0;
	_ =	sdelay $0x1  }
.Ltmp0:
0x152: {  	(pc) =	sbr.rel @p0 .LBB2_2-.Ltmp0, $4  }
0x153: {  	_ = 	snop  }
0x154: {  	s0 =	simm.s32 $0x7A00;
	[tilespmem:v3+s17+$0x0] =	vst.idx.msk $0xffff, v2  }
0x155: {  	v2 =	vld.idx.msk [tilespmem:v4+s0+$0x0], $0xffff  }
0x156: {  	v3 =	vor.u32 s23, v1  }
0x157: {  	_ =	sdelay $0x3  }
0x158: {  	s0 =	simm.s32 $0x2;
	[tilespmem:v3+s17+$0x0] =	vst.idx.msk $0xffff, v2  }
0x159: {  	_ =	swait.ge [sflag:s0], $0x80  }
0x15a: {  	[sflag:s0] =	ssyncset.done $0x0  }
0x15b: {  	[sflag:s0] =	ssyncadd.s32 $0xFFFFFF80  }
0x15c: {  	_ =	swait.ge [sflag:s0], $0x80  }
0x15d: {  	[sflag:s0] =	ssyncset.done $0x0  }
0x15e: {  	[sflag:s0] =	ssyncadd.s32 $0xFFFFFF80  }
0x15f: {  	_ =	swait.ge [sflag:s0], $0x80  }
0x160: {  	[sflag:s0] =	ssyncset.done $0x0  }
0x161: {  	[sflag:s0] =	ssyncadd.s32 $0xFFFFFF80  }
0x162: {  	_ =	swait.ge [sflag:s0], $0x80  }
0x163: {  	[sflag:s0] =	ssyncset.done $0x0  }
0x164: {  	s6 =	simm.s32 $0x0;
	s23 =	rddreg [dreg:$0x5];
	[sflag:s0] =	ssyncadd.s32 $0xFFFFFF80  }
0x165: {  	[hbm4b:s23+s6] =	stream.linear.scatter [tilespmem:s17], [sflag:$0x3], $0x200, $0x38;
	[tilespmem:$0xA400] =	vst v63  }
0x166: {  	s3 =	simm.s32 $0x8400;
	s24 =	rddreg [dreg:$0x6]  }
0x167: {  	[hbm4b:s24+s6] =	stream.linear.scatter [tilespmem:s3], [sflag:$0x3], $0x200, $0x38;
	[tilespmem:$0xA400] =	vst v63  }
0x168: {  	s30 =	simm.s32 $0x8600;
	s25 =	rddreg [dreg:$0x7]  }
0x169: {  	[hbm4b:s25+s6] =	stream.linear.scatter [tilespmem:s30], [sflag:$0x3], $0x200, $0x38;
	[tilespmem:$0xA400] =	vst v63  }
0x16a: {  	s5 =	simm.s32 $0x8800;
	s4 =	rddreg [dreg:$0x8]  }
0x16b: {  	[hbm4b:s4+s6] =	stream.linear.scatter [tilespmem:s5], [sflag:$0x3], $0x200, $0x38;
	[tilespmem:$0xA400] =	vst v63  }
0x16c: {  	s8 =	simm.s32 $0x8A00;
	s7 =	rddreg [dreg:$0x9]  }
0x16d: {  	[hbm4b:s7+s6] =	stream.linear.scatter [tilespmem:s8], [sflag:$0x3], $0x200, $0x38;
	[tilespmem:$0xA400] =	vst v63  }
0x16e: {  	s18 =	simm.s32 $0x8C00;
	s9 =	rddreg [dreg:$0xa]  }
0x16f: {  	[hbm4b:s9+s6] =	stream.linear.scatter [tilespmem:s18], [sflag:$0x3], $0x200, $0x38;
	[tilespmem:$0xA400] =	vst v63  }
0x170: {  	s20 =	simm.s32 $0x8E00;
	s19 =	rddreg [dreg:$0xb]  }
0x171: {  	[hbm4b:s19+s6] =	stream.linear.scatter [tilespmem:s20], [sflag:$0x3], $0x200, $0x38;
	[tilespmem:$0xA400] =	vst v63  }
0x172: {  	s22 =	simm.s32 $0x9000;
	s21 =	rddreg [dreg:$0xc]  }
0x173: {  	[hbm4b:s21+s6] =	stream.linear.scatter [tilespmem:s22], [sflag:$0x3], $0x200, $0x38;
	[tilespmem:$0xA400] =	vst v63  }
0x174: {  	s23 =	rddreg [dreg:$0xd];
	s24 =	simm.s32 $0x9200  }
0x175: {  	[hbm4b:s23+s6] =	stream.linear.scatter [tilespmem:s24], [sflag:$0x3], $0x200, $0x38;
	[tilespmem:$0xA400] =	vst v63  }
0x176: {  	s25 =	rddreg [dreg:$0xe];
	s30 =	simm.s32 $0x9400  }
0x177: {  	[hbm4b:s25+s6] =	stream.linear.scatter [tilespmem:s30], [sflag:$0x3], $0x200, $0x38;
	[tilespmem:$0xA400] =	vst v63  }
0x178: {  	s3 =	rddreg [dreg:$0xf];
	s4 =	simm.s32 $0x9600  }
0x179: {  	[hbm4b:s3+s6] =	stream.linear.scatter [tilespmem:s4], [sflag:$0x3], $0x200, $0x38;
	[tilespmem:$0xA400] =	vst v63  }
0x17a: {  	s5 =	rddreg [dreg:$0x10];
	s7 =	simm.s32 $0x9800  }
0x17b: {  	[hbm4b:s5+s6] =	stream.linear.scatter [tilespmem:s7], [sflag:$0x3], $0x200, $0x38;
	[tilespmem:$0xA400] =	vst v63  }
0x17c: {  	s8 =	rddreg [dreg:$0x11];
	s9 =	simm.s32 $0x9A00  }
0x17d: {  	[hbm4b:s8+s6] =	stream.linear.scatter [tilespmem:s9], [sflag:$0x3], $0x200, $0x38;
	[tilespmem:$0xA400] =	vst v63  }
0x17e: {  	s18 =	rddreg [dreg:$0x12];
	s19 =	simm.s32 $0x9C00  }
0x17f: {  	[hbm4b:s18+s6] =	stream.linear.scatter [tilespmem:s19], [sflag:$0x3], $0x200, $0x38;
	[tilespmem:$0xA400] =	vst v63  }
0x180: {  	s20 =	rddreg [dreg:$0x13];
	s21 =	simm.s32 $0x9E00  }
0x181: {  	[hbm4b:s20+s6] =	stream.linear.scatter [tilespmem:s21], [sflag:$0x3], $0x200, $0x38;
	[tilespmem:$0xA400] =	vst v63  }
0x182: {  	s22 =	rddreg [dreg:$0x14];
	s23 =	simm.s32 $0xA000  }
0x183: {  	[hbm4b:s22+s6] =	stream.linear.scatter [tilespmem:s23], [sflag:$0x3], $0x200, $0x38;
	[tilespmem:$0xA400] =	vst v63  }
0x184: {  	s24 =	rddreg [dreg:$0x15];
	s25 =	simm.s32 $0x3;
	s4 =	simm.s32 $0xA200  }
0x185: {  	[hbm4b:s24+s6] =	stream.linear.scatter [tilespmem:s4], [sflag:$0x3], $0x200, $0x38;
	[tilespmem:$0xA400] =	vst v63  }
0x186: {  	_ =	swait.ge [sflag:s25], $0x200  }
0x187: {  	[sflag:s25] =	ssyncset.done $0x0  }
0x188: {  	[sflag:s25] =	ssyncadd.s32 $0xFFFFFE00  }
0x189: {  	_ =	swait.ge [sflag:s25], $0x200  }
0x18a: {  	[sflag:s25] =	ssyncset.done $0x0  }
0x18b: {  	[sflag:s25] =	ssyncadd.s32 $0xFFFFFE00  }
0x18c: {  	_ =	swait.ge [sflag:s25], $0x200  }
0x18d: {  	[sflag:s25] =	ssyncset.done $0x0  }
0x18e: {  	[sflag:s25] =	ssyncadd.s32 $0xFFFFFE00  }
0x18f: {  	_ =	swait.ge [sflag:s25], $0x200  }
0x190: {  	[sflag:s25] =	ssyncset.done $0x0  }
0x191: {  	[sflag:s25] =	ssyncadd.s32 $0xFFFFFE00  }
0x192: {  	_ =	swait.ge [sflag:s25], $0x200  }
0x193: {  	[sflag:s25] =	ssyncset.done $0x0  }
0x194: {  	[sflag:s25] =	ssyncadd.s32 $0xFFFFFE00  }
0x195: {  	_ =	swait.ge [sflag:s25], $0x200  }
0x196: {  	[sflag:s25] =	ssyncset.done $0x0  }
0x197: {  	[sflag:s25] =	ssyncadd.s32 $0xFFFFFE00  }
0x198: {  	_ =	swait.ge [sflag:s25], $0x200  }
0x199: {  	[sflag:s25] =	ssyncset.done $0x0  }
0x19a: {  	[sflag:s25] =	ssyncadd.s32 $0xFFFFFE00  }
0x19b: {  	_ =	swait.ge [sflag:s25], $0x200  }
0x19c: {  	[sflag:s25] =	ssyncset.done $0x0  }
0x19d: {  	[sflag:s25] =	ssyncadd.s32 $0xFFFFFE00  }
0x19e: {  	_ =	swait.ge [sflag:s25], $0x200  }
0x19f: {  	[sflag:s25] =	ssyncset.done $0x0  }
0x1a0: {  	[sflag:s25] =	ssyncadd.s32 $0xFFFFFE00  }
0x1a1: {  	_ =	swait.ge [sflag:s25], $0x200  }
0x1a2: {  	[sflag:s25] =	ssyncset.done $0x0  }
0x1a3: {  	[sflag:s25] =	ssyncadd.s32 $0xFFFFFE00  }
0x1a4: {  	_ =	swait.ge [sflag:s25], $0x200  }
0x1a5: {  	[sflag:s25] =	ssyncset.done $0x0  }
0x1a6: {  	[sflag:s25] =	ssyncadd.s32 $0xFFFFFE00  }
0x1a7: {  	_ =	swait.ge [sflag:s25], $0x200  }
0x1a8: {  	[sflag:s25] =	ssyncset.done $0x0  }
0x1a9: {  	[sflag:s25] =	ssyncadd.s32 $0xFFFFFE00  }
0x1aa: {  	_ =	swait.ge [sflag:s25], $0x200  }
0x1ab: {  	[sflag:s25] =	ssyncset.done $0x0  }
0x1ac: {  	[sflag:s25] =	ssyncadd.s32 $0xFFFFFE00  }
0x1ad: {  	_ =	swait.ge [sflag:s25], $0x200  }
0x1ae: {  	[sflag:s25] =	ssyncset.done $0x0  }
0x1af: {  	[sflag:s25] =	ssyncadd.s32 $0xFFFFFE00  }
0x1b0: {  	_ =	swait.ge [sflag:s25], $0x200  }
0x1b1: {  	[sflag:s25] =	ssyncset.done $0x0  }
0x1b2: {  	[sflag:s25] =	ssyncadd.s32 $0xFFFFFE00  }
0x1b3: {  	_ =	swait.ge [sflag:s25], $0x200  }
0x1b4: {  	[sflag:s25] =	ssyncset.done $0x0  }
0x1b5: {  	[sflag:s25] =	ssyncadd.s32 $0xFFFFFE00  }
0x1b6: {  	_ =	swait.ge [sflag:s25], $0x200  }
0x1b7: {  	s5 =	rddreg [dreg:$0x17]  }
0x1b8: {  	s30 =	rddreg [dreg:$0x16];
	s5 =	sadd.s32 $0x1, s5  }
0x1b9: {  	p0 =	sne.s32 s5, s30  }
.Ltmp1:
0x1ba: {  	_ = 	snop;
	(pc) =	sbr.rel @p0 .LBB2_1-.Ltmp1, $3  }
0x1bb: {  	_ =	sdelay $0x1  }
0x1bc: {  	[sflag:s25] =	ssyncset.done $0x0  }
0x1bd: {  	[sflag:s25] =	ssyncadd.s32 $0xFFFFFE00  }
0x1be: {  	_ =	sfence.sel $0x180000  }
0x1bf: {  	[bflag:$0x0] =	sbarrier.arrive $0xFFFF  }
0x1c0: {  	_ =	strace $0x90000047  }
0x1c1: {  	s0 =	stileid.u32;
	[bflag:$0x2] =	sbarrier.arrive $0xFFFF  }
0x1c2: {  	p0 =	sne.s32 s0, $0x0;
	s0 =	rddreg [dreg:$0x3]  }
0x1c3: {  	s0 =	sadd.s32 @!p0 $0x100000, s0  }
0x1c4: {  	[sflag:s0] =	ssyncadd.tile.s32 @!p0 $0x1;
	_ =	shalt  }
.Lfunc_end2:
_tile_overlayer_lowered:
.L_overlay_start_2:
0x1c5: {  	(tag) =	ssettag $0x2  }
0x1c6: {  	s0 =	rddreg [dreg:$0x0];
	s2 =	stileid.u32  }
0x1c7: {  	s1 =	rddreg [dreg:$0x1];
	p0 =	sne.s32 s2, $0x0  }
0x1c8: {  	s3 =	rddreg [dreg:$0x2];
	[bflag:$0x3] =	sbarrier.arrive $0xFFFF;
	s2 =	simm.s32 @!p0 $0x1C04  }
0x1c9: {  	[timem:s3], [sflag:s2] =	dma.local @!p0 [hbm:s0], s1  }
0x1ca: {  	s0 =	simm.s32 @!p0 $0x4  }
0x1cb: {  	_ =	swait.ge @!p0 [sflag:s0], s1  }
0x1cc: {  	s1 =	ssub.s32 @!p0 $0x0, s1;
	[sflag:s0] =	ssyncset.done @!p0 $0x0  }
0x1cd: {  	[sflag:s0] =	ssyncadd.s32 @!p0 s1  }
0x1ce: {  	[bflag:$0x3] =	sbarrier.arrive $0xFFFF  }
0x1cf: {  	_ =	shalt  }

</sc_bundles>
